<compile_context>
chip_gen: v7x
topology: tpu7x:2x2x1
jax: 0.10.2.dev20260603
libtpu: 0.0.44.dev20260713+nightly
codegen_flags: <defaults>
</compile_context>

<pallas_src>
import functools

import jax
import jax.numpy as jnp
from jax import lax
from jax.experimental import pallas as pl
from jax.experimental.pallas import tpu as pltpu
from jax.experimental.pallas import tpu_sc as plsc

_N = 50000
_E = 800000
_G = 16
_H = 64
_BE = 4096
_EP = 802816
_BN = 6400
_NP = 51200


_NC = 2
_NS = 16
_NW = _NC * _NS


def _silu(a):
    return a * jax.nn.sigmoid(a)


def _make_sc_gather2(ep, d, chunk):
    per_w = ep // _NW
    n_chunks = per_w // chunk
    assert per_w % chunk == 0 and per_w % 8 == 0
    mesh = plsc.VectorSubcoreMesh(core_axis_name="c", subcore_axis_name="s")

    def body(ta, tb, ia, ib, oa, ob, idx_v, rows_v, sem):
        wid = lax.axis_index("s") * _NC + lax.axis_index("c")
        base = wid * per_w

        @pl.loop(0, n_chunks)
        def _(ci):
            off = base + ci * chunk
            pltpu.sync_copy(ia.at[pl.ds(off, chunk)], idx_v)
            pltpu.async_copy(ta.at[idx_v], rows_v, sem).wait()
            pltpu.sync_copy(rows_v, oa.at[pl.ds(off, chunk)])
            pltpu.sync_copy(ib.at[pl.ds(off, chunk)], idx_v)
            pltpu.async_copy(tb.at[idx_v], rows_v, sem).wait()
            pltpu.sync_copy(rows_v, ob.at[pl.ds(off, chunk)])

    out_t = jax.ShapeDtypeStruct((ep, d), jnp.float32)
    return pl.kernel(
        body, mesh=mesh, out_type=[out_t, out_t],
        scratch_types=[
            pltpu.VMEM((chunk,), jnp.int32),
            pltpu.VMEM((chunk, d), jnp.float32),
            pltpu.SemaphoreType.DMA,
        ])


def _make_sc_scatter_lanes(ep, np_, chunk):
    per_sub = ep // _NS
    n_chunks = per_sub // chunk
    stripe = np_ // _NS
    assert per_sub % chunk == 0 and np_ % _NS == 0
    mesh = plsc.VectorSubcoreMesh(core_axis_name="c", subcore_axis_name="s")

    def body(m0, m1, idx_hbm, zeros_hbm, out_hbm, idx_v, vals_v, shared):
        c = lax.axis_index("c")
        s = lax.axis_index("s")
        pltpu.sync_copy(zeros_hbm.at[pl.ds(s * stripe, stripe)],
                        shared.at[pl.ds(s * stripe, stripe)])
        plsc.subcore_barrier()

        def run(mh):
            @pl.loop(0, n_chunks)
            def _(ci):
                off = s * per_sub + ci * chunk
                pltpu.sync_copy(idx_hbm.at[pl.ds(off, chunk)], idx_v)
                pltpu.sync_copy(mh.at[pl.ds(off, chunk)], vals_v)
                pltpu.sync_copy(vals_v, shared.at[idx_v], add=True)

        @pl.when(c == 0)
        def _():
            run(m0)

        @pl.when(c == 1)
        def _():
            run(m1)

        plsc.subcore_barrier()
        pltpu.sync_copy(shared.at[pl.ds(s * stripe, stripe)],
                        out_hbm.at[c, pl.ds(s * stripe, stripe)])

    return pl.kernel(
        body, mesh=mesh,
        out_type=jax.ShapeDtypeStruct((_NC, np_, 32), jnp.float32),
        scratch_types=[
            pltpu.VMEM((chunk,), jnp.int32),
            pltpu.VMEM((chunk, 32), jnp.float32),
            pltpu.VMEM_SHARED((np_, 32), jnp.float32),
        ],
        compiler_params=pltpu.CompilerParams(use_tc_tiling_on_sc=False))


def _make_sc_scatter_edges(ep, np_, chunk):
    per_sub = ep // _NW
    n_chunks = per_sub // chunk
    stripe = np_ // _NS
    assert per_sub % chunk == 0 and np_ % _NS == 0
    mesh = plsc.VectorSubcoreMesh(core_axis_name="c", subcore_axis_name="s")

    def body(t16, idx_hbm, zeros_hbm, out_hbm, idx_v, vals_v, shared):
        c = lax.axis_index("c")
        s = lax.axis_index("s")
        pltpu.sync_copy(zeros_hbm.at[pl.ds(s * stripe, stripe)],
                        shared.at[pl.ds(s * stripe, stripe)])
        plsc.subcore_barrier()
        base = (s * _NC + c) * per_sub

        @pl.loop(0, n_chunks)
        def _(ci):
            off = base + ci * chunk
            pltpu.sync_copy(idx_hbm.at[pl.ds(off, chunk)], idx_v)
            pltpu.sync_copy(t16.at[pl.ds(off, chunk)], vals_v)
            pltpu.sync_copy(vals_v, shared.at[idx_v], add=True)

        plsc.subcore_barrier()
        pltpu.sync_copy(shared.at[pl.ds(s * stripe, stripe)],
                        out_hbm.at[c, pl.ds(s * stripe, stripe)])

    return pl.kernel(
        body, mesh=mesh,
        out_type=jax.ShapeDtypeStruct((_NC, np_, 16), jnp.float32),
        scratch_types=[
            pltpu.VMEM((chunk,), jnp.int32),
            pltpu.VMEM((chunk, 16), jnp.float32),
            pltpu.VMEM_SHARED((np_, 16), jnp.float32),
        ],
        compiler_params=pltpu.CompilerParams(use_tc_tiling_on_sc=False))


def _enc_edge_body(gr_ref, gc_ref, w_ref, b1_ref, e2_ref, b2_ref, l_ref,
                   m0_ref, m1_ref, g8_ref):
    lv = l_ref[0:1, 0:3]
    d = gr_ref[:, 0:3] - gc_ref[:, 0:3]
    d = jnp.where(d > 0.5 * lv, d - lv, d)
    d = jnp.where(d < -0.5 * lv, d + lv, d)
    r2 = jnp.sum(d * d, axis=-1, keepdims=True)
    xr = gr_ref[:, 3:4]
    xc = gc_ref[:, 3:4]
    pre = (xr * w_ref[0:1, :] + xc * w_ref[1:2, :] + r2 * w_ref[2:3, :]
           + b1_ref[0:1, :])
    m1 = _silu(pre)
    m = _silu(jnp.dot(m1, e2_ref[...], preferred_element_type=jnp.float32)
              + b2_ref[0:1, :])
    eidx = (pl.program_id(0) * _BE
            + jax.lax.broadcasted_iota(jnp.int32, (_BE, 1), 0))
    valid = (eidx < _E).astype(jnp.float32)
    m = m * valid
    m0_ref[...] = m[:, 0:32]
    m1_ref[...] = m[:, 32:64]
    dn = d / (jnp.sqrt(r2) + 1.0)
    lane = jax.lax.broadcasted_iota(jnp.int32, (_BE, 8), 1)
    g8 = jnp.where(lane < 3, jnp.pad(dn, ((0, 0), (0, 5))), 0.0)
    g8 = jnp.where(lane == 4, r2, g8)
    g8_ref[...] = g8 * valid


def _dec_edge_body(ar_ref, bc_ref, g8_ref, wr2_ref, b1_ref, e2_ref, b2_ref,
                   c1_ref, bc1_ref, c2t_ref, bc2_ref, out_ref):
    r2 = g8_ref[:, 4:5]
    pre = (ar_ref[:, 0:_H] + bc_ref[:, _H:2 * _H] + r2 * wr2_ref[0:1, :]
           + b1_ref[0:1, :])
    m = _silu(jnp.dot(_silu(pre), e2_ref[...],
                      preferred_element_type=jnp.float32) + b2_ref[0:1, :])
    c = _silu(jnp.dot(m, c1_ref[...], preferred_element_type=jnp.float32)
              + bc1_ref[0:1, :])
    cc = jnp.tanh(jnp.sum(c * c2t_ref[0:1, :], axis=-1, keepdims=True)
                  + bc2_ref[0:1, 0:1])
    lane = jax.lax.broadcasted_iota(jnp.int32, (_BE, 4), 1)
    out4 = g8_ref[:, 0:4] * cc + jnp.where(lane == 3, 1.0, 0.0)
    eidx = (pl.program_id(0) * _BE
            + jax.lax.broadcasted_iota(jnp.int32, (_BE, 1), 0))
    out4 = out4 * (eidx < _E).astype(jnp.float32)
    out_ref[...] = jnp.pad(out4, ((0, 0), (0, 12)))


def _node1_body(x_ref, a0_ref, a1_ref, batch_ref, n1a_ref, n1b0_ref,
                n1b1_ref, bn1_ref, n2_ref, bn2_ref, hsum_ref):
    pre = (x_ref[...] * n1a_ref[0:1, :]
           + jnp.dot(a0_ref[0], n1b0_ref[...],
                     preferred_element_type=jnp.float32)
           + jnp.dot(a1_ref[0], n1b1_ref[...],
                     preferred_element_type=jnp.float32)
           + bn1_ref[0:1, :])
    h = (jnp.dot(_silu(pre), n2_ref[...], preferred_element_type=jnp.float32)
         + bn2_ref[0:1, :])
    nidx = (pl.program_id(0) * _BN
            + jax.lax.broadcasted_iota(jnp.int32, (_BN, 1), 0))
    valid = (nidx < _N).astype(jnp.float32)
    payload = jnp.pad(jnp.concatenate([h, valid], axis=1),
                      ((0, 0), (0, 63)))
    gid = jax.lax.broadcasted_iota(jnp.int32, (_BN, _G), 1)
    mask = (batch_ref[...] == gid).astype(jnp.float32) * valid
    part = jax.lax.dot_general(
        mask, payload, (((0,), (0,)), ((), ())),
        preferred_element_type=jnp.float32,
        precision=jax.lax.Precision.HIGHEST)

    @pl.when(pl.program_id(0) == 0)
    def _():
        hsum_ref[...] = jnp.zeros_like(hsum_ref)

    hsum_ref[...] += part


def _node2_body(x_ref, zn_ref, emb0_ref, e1ab_ref, ab_ref):
    hd = x_ref[...] * emb0_ref[0:1, :] + zn_ref[...]
    ab_ref[...] = jnp.dot(hd, e1ab_ref[...],
                          preferred_element_type=jnp.float32)


def _row(v):
    return v.reshape(1, -1)


def kernel(x, pos, edge_index, batch, num_nodes, l, params):
    E = edge_index.shape[1]
    row = edge_index[0]
    col = edge_index[1]
    pad_e = _EP - E
    rowp = jnp.pad(row, (0, pad_e))
    colp = jnp.pad(col, (0, pad_e))

    p128 = jnp.pad(jnp.concatenate([pos, x[:, None]], axis=1),
                   ((0, 0), (0, 124)))
    gr, gc = _make_sc_gather2(_EP, 128, 784)(p128, p128, rowp, colp)

    enc = params['enc']
    dec = params['dec']
    w_enc = jnp.pad(enc['e1'][0], ((0, 5), (0, 0)))
    l_row = jnp.pad(l, (0, 125)).reshape(1, 128)[:, :128]

    grid_e = _EP // _BE
    rep = lambda shape: pl.BlockSpec(shape, lambda i: (0, 0))
    m = pl.pallas_call(
        _enc_edge_body,
        grid=(grid_e,),
        in_specs=[
            pl.BlockSpec((_BE, 128), lambda i: (i, 0)),
            pl.BlockSpec((_BE, 128), lambda i: (i, 0)),
            rep((8, _H)),
            rep((1, _H)),
            rep((_H, _H)),
            rep((1, _H)),
            rep((1, 128)),
        ],
        out_specs=[
            pl.BlockSpec((_BE, 32), lambda i: (i, 0)),
            pl.BlockSpec((_BE, 32), lambda i: (i, 0)),
            pl.BlockSpec((_BE, 8), lambda i: (i, 0)),
        ],
        out_shape=[
            jax.ShapeDtypeStruct((_EP, 32), jnp.float32),
            jax.ShapeDtypeStruct((_EP, 32), jnp.float32),
            jax.ShapeDtypeStruct((_EP, 8), jnp.float32),
        ],
        compiler_params=pltpu.CompilerParams(
            dimension_semantics=("arbitrary",)),
    )(gr, gc, w_enc, _row(enc['e1'][1]), enc['e2'][0], _row(enc['e2'][1]),
      l_row)
    m0, m1, g8 = m

    zeros32 = jnp.zeros((_NP, 32), jnp.float32)
    aggm2 = _make_sc_scatter_lanes(_EP, _NP, 512)(m0, m1, rowp, zeros32)

    xp = jnp.pad(x, (0, _NP - _N)).reshape(_NP, 1)
    batchp2 = jnp.pad(batch, (0, _NP - _N)).reshape(_NP, 1)
    n1 = enc['n1']
    grid_n = _NP // _BN
    hsum = pl.pallas_call(
        _node1_body,
        grid=(grid_n,),
        in_specs=[
            pl.BlockSpec((_BN, 1), lambda i: (i, 0)),
            pl.BlockSpec((1, _BN, 32), lambda i: (0, i, 0)),
            pl.BlockSpec((1, _BN, 32), lambda i: (1, i, 0)),
            pl.BlockSpec((_BN, 1), lambda i: (i, 0)),
            rep((1, _H)),
            pl.BlockSpec((32, _H), lambda i: (0, 0)),
            pl.BlockSpec((32, _H), lambda i: (0, 0)),
            rep((1, _H)),
            rep((_H, _H)),
            rep((1, _H)),
        ],
        out_specs=pl.BlockSpec((_G, 128), lambda i: (0, 0)),
        out_shape=jax.ShapeDtypeStruct((_G, 128), jnp.float32),
        compiler_params=pltpu.CompilerParams(
            dimension_semantics=("arbitrary",)),
    )(xp, aggm2, aggm2, batchp2, _row(n1[0][0]), n1[0][1:33], n1[0][33:65],
      _row(n1[1]), enc['n2'][0], _row(enc['n2'][1]))

    hg = hsum[:, :_H] / jnp.maximum(hsum[:, _H:_H + 1], 1.0)
    mu = hg @ params['z_mu'][0] + params['z_mu'][1]
    sigma = jax.nn.softplus(hg @ params['z_sigma'][0] + params['z_sigma'][1])
    eps = jax.random.normal(jax.random.key(1), mu.shape, mu.dtype)
    z = mu + (sigma + 1e-6) * eps

    emb = params['emb']
    zemb = z @ emb[0][1:] + emb[1]
    batchp = jnp.pad(batch, (0, _NP - _N))
    znp = zemb[batchp]
    e1d = dec['e1'][0]
    e1ab = jnp.concatenate([e1d[:_H], e1d[_H:2 * _H]], axis=1)
    ab_t = pl.pallas_call(
        _node2_body,
        grid=(grid_n,),
        in_specs=[
            pl.BlockSpec((_BN, 1), lambda i: (i, 0)),
            pl.BlockSpec((_BN, _H), lambda i: (i, 0)),
            rep((1, _H)),
            rep((_H, 2 * _H)),
        ],
        out_specs=pl.BlockSpec((_BN, 2 * _H), lambda i: (i, 0)),
        out_shape=jax.ShapeDtypeStruct((_NP, 2 * _H), jnp.float32),
        compiler_params=pltpu.CompilerParams(
            dimension_semantics=("arbitrary",)),
    )(xp, znp, _row(emb[0][0]), e1ab)

    ar, bc = _make_sc_gather2(_EP, 2 * _H, 784)(ab_t, ab_t, rowp, colp)

    out4 = pl.pallas_call(
        _dec_edge_body,
        grid=(grid_e,),
        in_specs=[
            pl.BlockSpec((_BE, 2 * _H), lambda i: (i, 0)),
            pl.BlockSpec((_BE, 2 * _H), lambda i: (i, 0)),
            pl.BlockSpec((_BE, 8), lambda i: (i, 0)),
            rep((1, _H)),
            rep((1, _H)),
            rep((_H, _H)),
            rep((1, _H)),
            rep((_H, _H)),
            rep((1, _H)),
            rep((1, _H)),
            rep((1, 1)),
        ],
        out_specs=pl.BlockSpec((_BE, 16), lambda i: (i, 0)),
        out_shape=jax.ShapeDtypeStruct((_EP, 16), jnp.float32),
        compiler_params=pltpu.CompilerParams(
            dimension_semantics=("arbitrary",)),
    )(ar, bc, g8, _row(e1d[2 * _H]), _row(dec['e1'][1]), dec['e2'][0],
      _row(dec['e2'][1]), dec['c1'][0], _row(dec['c1'][1]),
      dec['c2'][0].reshape(1, _H), dec['c2'][1].reshape(1, 1))

    zeros16 = jnp.zeros((_NP, 16), jnp.float32)
    agg2 = _make_sc_scatter_edges(_EP, _NP, 896)(out4, rowp, zeros16)
    agg4 = (agg2[0] + agg2[1])[:_N]
    diff = agg4[:, 0:3] / jnp.maximum(agg4[:, 3:4], 1.0)
    diff = jnp.where(diff > 0.5 * l, diff - l, diff)
    diff = jnp.where(diff < -0.5 * l, diff + l, diff)
    return diff, z, mu, sigma

# --- scband reference (transcript-rebuilt; emitter-appended) ---
"""Pipeline reference for scband-basic-vae-36524401885238 (READ-ONLY COPY).

The authoritative reference and input builder live on the scoring server;
editing this copy changes nothing except your own understanding.
"""

import jax, jax.numpy as jnp
import numpy as np

N = 50000
E = 800000
G = 16
H = 64
Z = 64


def _lin(key, i, o):
    k1, k2 = jax.random.split(key)
    return (jax.random.normal(k1, (i, o), jnp.float32) * 0.05,
            jnp.zeros((o,), jnp.float32))


def _egnn_params(key, in_dim, hid, out_dim, z_size):
    ks = jax.random.split(key, 6)
    return {
        'e1': _lin(ks[0], 2 * in_dim + 1, hid),
        'e2': _lin(ks[1], hid, hid),
        'c1': _lin(ks[2], hid, hid),
        'c2': _lin(ks[3], hid, 1),
        'n1': _lin(ks[4], in_dim + hid + z_size, hid),
        'n2': _lin(ks[5], hid, out_dim),
    }


def setup_inputs(seed: int = 0) -> dict:
    key = jax.random.key(seed)
    ks = jax.random.split(key, 8)
    l = jnp.array([10.0, 10.0, 10.0], jnp.float32)
    x = jax.random.normal(ks[0], (N,), jnp.float32)
    pos = jax.random.uniform(ks[1], (N, 3), jnp.float32) * l
    edge_index = jax.random.randint(ks[2], (2, E), 0, N)
    batch = jnp.sort(jax.random.randint(ks[3], (N,), 0, G))
    params = {
        'enc': _egnn_params(ks[4], 1, H, Z, 0),
        'dec': _egnn_params(ks[5], H, H, 1, Z),
        'z_mu': _lin(ks[6], Z, Z),
        'z_sigma': _lin(jax.random.fold_in(ks[6], 1), Z, Z),
        'emb': _lin(ks[7], Z + 1, H),
    }
    return {'x': x, 'pos': pos, 'edge_index': edge_index, 'batch': batch,
            'num_nodes': N, 'l': l, 'params': params}


def _silu(a):
    return a * jax.nn.sigmoid(a)


def _egnn(p, h, pos, edge_index, l, z=None):
    # Single E_GCL layer (Satorras et al.) with periodic box l, normalize=True, tanh=True
    row = edge_index[0]
    col = edge_index[1]
    d = pos[row] - pos[col]
    d = jnp.where(d > 0.5 * l, d - l, d)
    d = jnp.where(d < -0.5 * l, d + l, d)
    r2 = jnp.sum(d * d, axis=-1, keepdims=True)
    ein = jnp.concatenate([h[row], h[col], r2], axis=-1)
    m = _silu(ein @ p['e1'][0] + p['e1'][1])
    m = _silu(m @ p['e2'][0] + p['e2'][1])
    c = _silu(m @ p['c1'][0] + p['c1'][1])
    c = jnp.tanh(c @ p['c2'][0] + p['c2'][1])
    trans = (d / (jnp.sqrt(r2) + 1.0)) * c
    n = h.shape[0]
    agg_t = jax.ops.segment_sum(trans, row, num_segments=n)
    cnt = jax.ops.segment_sum(jnp.ones((row.shape[0], 1), h.dtype), row, num_segments=n)
    coords = pos + agg_t / jnp.maximum(cnt, 1.0)
    agg_m = jax.ops.segment_sum(m, row, num_segments=n)
    feats = [h, agg_m] + ([z] if z is not None else [])
    nin = jnp.concatenate(feats, axis=-1)
    h_out = _silu(nin @ p['n1'][0] + p['n1'][1]) @ p['n2'][0] + p['n2'][1]
    return h_out, coords


def reference(x, pos, edge_index, batch, num_nodes, l, params):
    # Encoder
    h_in = x.reshape(-1, 1)
    h_enc, _ = _egnn(params['enc'], h_in, pos, edge_index, l)
    ssum = jax.ops.segment_sum(h_enc, batch, num_segments=G)
    cnt = jax.ops.segment_sum(jnp.ones((batch.shape[0], 1), h_enc.dtype), batch, num_segments=G)
    hg = ssum / jnp.maximum(cnt, 1.0)
    mu = hg @ params['z_mu'][0] + params['z_mu'][1]
    sigma = jax.nn.softplus(hg @ params['z_sigma'][0] + params['z_sigma'][1])
    # rsample (fixed noise key for determinism)
    eps = jax.random.normal(jax.random.key(1), mu.shape, mu.dtype)
    z = mu + (sigma + 1e-6) * eps
    # Decoder
    zn = z[batch]
    hd = jnp.concatenate([x.reshape(-1, 1), zn], axis=-1) @ params['emb'][0] + params['emb'][1]
    _, coords = _egnn(params['dec'], hd, pos, edge_index, l, z=zn)
    diff = coords - pos
    diff = jnp.where(diff > 0.5 * l, diff - l, diff)
    diff = jnp.where(diff < -0.5 * l, diff + l, diff)
    return diff, z, mu, sigma

if __name__ == "__main__":
    import jax
    _d = setup_inputs()
    print(jax.jit(kernel)(*tuple(_d.values())))

</pallas_src>

<mosaic_0001>
#map = affine_map<(d0, d1) -> (0, 0)>
#map1 = affine_map<(d0, d1) -> (0)>
module attributes {stable_mosaic.version = 14 : i64} {
  func.func @body(%arg0: i32, %arg1: i32, %arg2: memref<51200x128xf32, #tpu.memory_space<hbm>>, %arg3: memref<51200x128xf32, #tpu.memory_space<hbm>>, %arg4: memref<802816xi32, #tpu.memory_space<hbm>>, %arg5: memref<802816xi32, #tpu.memory_space<hbm>>, %arg6: memref<802816x128xf32, #tpu.memory_space<hbm>>, %arg7: memref<802816x128xf32, #tpu.memory_space<hbm>>, %arg8: memref<784xi32, #tpu.memory_space<vmem>>, %arg9: memref<784x128xf32, #tpu.memory_space<vmem>>, %arg10: memref<!tpu.dma_semaphore, #tpu.memory_space<semaphore_mem>>) attributes {dimension_semantics = [#tpu.dimension_semantics<core_parallel>, #tpu.dimension_semantics<subcore_parallel>], iteration_bounds = array<i64: 2, 16>, scalar_prefetch = 0 : i64, scratch_operands = 3 : i64, tpu.core_type = #tpu.core_type<sc_vector_subcore>, window_params = [{transform_indices = #map}, {transform_indices = #map}, {transform_indices = #map1}, {transform_indices = #map1}, {transform_indices = #map}, {transform_indices = #map}]} {
    %mul3A = arith.constant 2 : i32
    %mul3A_0 = arith.muli %arg1, %mul3A : i32
    %add3A = arith.addi %mul3A_0, %arg0 : i32
    %mul3A_1 = arith.constant 25088 : i32
    %mul3A_2 = arith.muli %add3A, %mul3A_1 : i32
    %scan3A = arith.constant 0 : i32
    %scan3A_3 = arith.constant 32 : i32
    %scan3A_4 = arith.addi %scan3A, %scan3A_3 : i32
    %scan3A_5 = arith.constant 1 : i32
    scf.for %scan3A_7 = %scan3A to %scan3A_4 step %scan3A_5  : i32 {
      %mul3A_8 = arith.constant 1 : i32
      %mul3A_9 = arith.muli %scan3A_7, %mul3A_8 : i32
      %add3A_10 = arith.constant 0 : i32
      %add3A_11 = arith.addi %add3A_10, %mul3A_9 : i32
      %mul3A_12 = arith.constant 784 : i32
      %mul3A_13 = arith.muli %add3A_11, %mul3A_12 : i32
      %add3A_14 = arith.addi %mul3A_2, %mul3A_13 : i32
      "tpu.region"() ({
        %run_scoped3A = tpu.sem_alloc : memref<!tpu.dma_semaphore, #tpu.memory_space<semaphore_mem>>
        %dma_start3A_25 = tpu.memref_slice %arg4[%add3A_14] : memref<802816xi32, #tpu.memory_space<hbm>> -> memref<784xi32, #tpu.memory_space<hbm>>
        %dma_start3A_26 = tpu.memref_slice %arg4[%add3A_14] : memref<802816xi32, #tpu.memory_space<hbm>> -> memref<784xi32, #tpu.memory_space<hbm>>
        tpu.enqueue_dma source(%dma_start3A_26 : memref<784xi32, #tpu.memory_space<hbm>>) target(%arg8 : memref<784xi32, #tpu.memory_space<vmem>>) target_semaphore(%run_scoped3A : memref<!tpu.dma_semaphore, #tpu.memory_space<semaphore_mem>>)
        %dma_wait3A_27 = tpu.memref_slice %arg4[%add3A_14] : memref<802816xi32, #tpu.memory_space<hbm>> -> memref<784xi32, #tpu.memory_space<hbm>>
        %dma_wait3A_28 = tpu.memref_slice %arg4[%add3A_14] : memref<802816xi32, #tpu.memory_space<hbm>> -> memref<784xi32, #tpu.memory_space<hbm>>
        tpu.wait_dma2 semaphore(%run_scoped3A : memref<!tpu.dma_semaphore, #tpu.memory_space<semaphore_mem>>) src(%dma_wait3A_28 : memref<784xi32, #tpu.memory_space<hbm>>) dst(%arg8 : memref<784xi32, #tpu.memory_space<vmem>>)
        tpu.yield
      }) : () -> ()
      %dma_start3A = arith.constant 0 : i32
      %dma_start3A_15 = arith.constant 0 : i32
      %dma_start3A_16 = tpu.memref_slice %arg2[%dma_start3A, %dma_start3A_15] : memref<51200x128xf32, #tpu.memory_space<hbm>> -> memref<51200x128xf32, #tpu.memory_space<hbm>>
      tpu.enqueue_indirect_dma source(%dma_start3A_16 : memref<51200x128xf32, #tpu.memory_space<hbm>>) target(%arg9 : memref<784x128xf32, #tpu.memory_space<vmem>>) offsets(%arg8 : memref<784xi32, #tpu.memory_space<vmem>>) semaphore(%arg10 : memref<!tpu.dma_semaphore, #tpu.memory_space<semaphore_mem>>)
      %dma_wait3A = arith.constant 0 : i32
      %dma_wait3A_17 = arith.constant 0 : i32
      %dma_wait3A_18 = tpu.memref_slice %arg2[%dma_wait3A, %dma_wait3A_17] : memref<51200x128xf32, #tpu.memory_space<hbm>> -> memref<51200x128xf32, #tpu.memory_space<hbm>>
      tpu.wait_indirect_dma semaphore(%arg10 : memref<!tpu.dma_semaphore, #tpu.memory_space<semaphore_mem>>) src(%dma_wait3A_18 : memref<51200x128xf32, #tpu.memory_space<hbm>>) dst(%arg9 : memref<784x128xf32, #tpu.memory_space<vmem>>)
      "tpu.region"() ({
        %run_scoped3A = tpu.sem_alloc : memref<!tpu.dma_semaphore, #tpu.memory_space<semaphore_mem>>
        %dma_start3A_25 = arith.constant 0 : i32
        %dma_start3A_26 = tpu.memref_slice %arg6[%add3A_14, %dma_start3A_25] : memref<802816x128xf32, #tpu.memory_space<hbm>> -> memref<784x128xf32, #tpu.memory_space<hbm>>
        %dma_start3A_27 = arith.constant 0 : i32
        %dma_start3A_28 = tpu.memref_slice %arg6[%add3A_14, %dma_start3A_27] : memref<802816x128xf32, #tpu.memory_space<hbm>> -> memref<784x128xf32, #tpu.memory_space<hbm>>
        tpu.enqueue_dma source(%arg9 : memref<784x128xf32, #tpu.memory_space<vmem>>) target(%dma_start3A_28 : memref<784x128xf32, #tpu.memory_space<hbm>>) target_semaphore(%run_scoped3A : memref<!tpu.dma_semaphore, #tpu.memory_space<semaphore_mem>>)
        %dma_wait3A_29 = arith.constant 0 : i32
        %dma_wait3A_30 = tpu.memref_slice %arg6[%add3A_14, %dma_wait3A_29] : memref<802816x128xf32, #tpu.memory_space<hbm>> -> memref<784x128xf32, #tpu.memory_space<hbm>>
        %dma_wait3A_31 = arith.constant 0 : i32
        %dma_wait3A_32 = tpu.memref_slice %arg6[%add3A_14, %dma_wait3A_31] : memref<802816x128xf32, #tpu.memory_space<hbm>> -> memref<784x128xf32, #tpu.memory_space<hbm>>
        tpu.wait_dma2 semaphore(%run_scoped3A : memref<!tpu.dma_semaphore, #tpu.memory_space<semaphore_mem>>) src(%arg9 : memref<784x128xf32, #tpu.memory_space<vmem>>) dst(%dma_wait3A_32 : memref<784x128xf32, #tpu.memory_space<hbm>>)
        tpu.yield
      }) : () -> ()
      "tpu.region"() ({
        %run_scoped3A = tpu.sem_alloc : memref<!tpu.dma_semaphore, #tpu.memory_space<semaphore_mem>>
        %dma_start3A_25 = tpu.memref_slice %arg5[%add3A_14] : memref<802816xi32, #tpu.memory_space<hbm>> -> memref<784xi32, #tpu.memory_space<hbm>>
        %dma_start3A_26 = tpu.memref_slice %arg5[%add3A_14] : memref<802816xi32, #tpu.memory_space<hbm>> -> memref<784xi32, #tpu.memory_space<hbm>>
        tpu.enqueue_dma source(%dma_start3A_26 : memref<784xi32, #tpu.memory_space<hbm>>) target(%arg8 : memref<784xi32, #tpu.memory_space<vmem>>) target_semaphore(%run_scoped3A : memref<!tpu.dma_semaphore, #tpu.memory_space<semaphore_mem>>)
        %dma_wait3A_27 = tpu.memref_slice %arg5[%add3A_14] : memref<802816xi32, #tpu.memory_space<hbm>> -> memref<784xi32, #tpu.memory_space<hbm>>
        %dma_wait3A_28 = tpu.memref_slice %arg5[%add3A_14] : memref<802816xi32, #tpu.memory_space<hbm>> -> memref<784xi32, #tpu.memory_space<hbm>>
        tpu.wait_dma2 semaphore(%run_scoped3A : memref<!tpu.dma_semaphore, #tpu.memory_space<semaphore_mem>>) src(%dma_wait3A_28 : memref<784xi32, #tpu.memory_space<hbm>>) dst(%arg8 : memref<784xi32, #tpu.memory_space<vmem>>)
        tpu.yield
      }) : () -> ()
      %dma_start3A_19 = arith.constant 0 : i32
      %dma_start3A_20 = arith.constant 0 : i32
      %dma_start3A_21 = tpu.memref_slice %arg3[%dma_start3A_19, %dma_start3A_20] : memref<51200x128xf32, #tpu.memory_space<hbm>> -> memref<51200x128xf32, #tpu.memory_space<hbm>>
      tpu.enqueue_indirect_dma source(%dma_start3A_21 : memref<51200x128xf32, #tpu.memory_space<hbm>>) target(%arg9 : memref<784x128xf32, #tpu.memory_space<vmem>>) offsets(%arg8 : memref<784xi32, #tpu.memory_space<vmem>>) semaphore(%arg10 : memref<!tpu.dma_semaphore, #tpu.memory_space<semaphore_mem>>)
      %dma_wait3A_22 = arith.constant 0 : i32
      %dma_wait3A_23 = arith.constant 0 : i32
      %dma_wait3A_24 = tpu.memref_slice %arg3[%dma_wait3A_22, %dma_wait3A_23] : memref<51200x128xf32, #tpu.memory_space<hbm>> -> memref<51200x128xf32, #tpu.memory_space<hbm>>
      tpu.wait_indirect_dma semaphore(%arg10 : memref<!tpu.dma_semaphore, #tpu.memory_space<semaphore_mem>>) src(%dma_wait3A_24 : memref<51200x128xf32, #tpu.memory_space<hbm>>) dst(%arg9 : memref<784x128xf32, #tpu.memory_space<vmem>>)
      "tpu.region"() ({
        %run_scoped3A = tpu.sem_alloc : memref<!tpu.dma_semaphore, #tpu.memory_space<semaphore_mem>>
        %dma_start3A_25 = arith.constant 0 : i32
        %dma_start3A_26 = tpu.memref_slice %arg7[%add3A_14, %dma_start3A_25] : memref<802816x128xf32, #tpu.memory_space<hbm>> -> memref<784x128xf32, #tpu.memory_space<hbm>>
        %dma_start3A_27 = arith.constant 0 : i32
        %dma_start3A_28 = tpu.memref_slice %arg7[%add3A_14, %dma_start3A_27] : memref<802816x128xf32, #tpu.memory_space<hbm>> -> memref<784x128xf32, #tpu.memory_space<hbm>>
        tpu.enqueue_dma source(%arg9 : memref<784x128xf32, #tpu.memory_space<vmem>>) target(%dma_start3A_28 : memref<784x128xf32, #tpu.memory_space<hbm>>) target_semaphore(%run_scoped3A : memref<!tpu.dma_semaphore, #tpu.memory_space<semaphore_mem>>)
        %dma_wait3A_29 = arith.constant 0 : i32
        %dma_wait3A_30 = tpu.memref_slice %arg7[%add3A_14, %dma_wait3A_29] : memref<802816x128xf32, #tpu.memory_space<hbm>> -> memref<784x128xf32, #tpu.memory_space<hbm>>
        %dma_wait3A_31 = arith.constant 0 : i32
        %dma_wait3A_32 = tpu.memref_slice %arg7[%add3A_14, %dma_wait3A_31] : memref<802816x128xf32, #tpu.memory_space<hbm>> -> memref<784x128xf32, #tpu.memory_space<hbm>>
        tpu.wait_dma2 semaphore(%run_scoped3A : memref<!tpu.dma_semaphore, #tpu.memory_space<semaphore_mem>>) src(%arg9 : memref<784x128xf32, #tpu.memory_space<vmem>>) dst(%dma_wait3A_32 : memref<784x128xf32, #tpu.memory_space<hbm>>)
        tpu.yield
      }) : () -> ()
    }
    %scan3A_6 = arith.constant 32 : i32
    return
  }
}

#map = affine_map<(d0, d1) -> (0, 0)>
#map1 = affine_map<(d0, d1) -> (0)>
module attributes {stable_mosaic.version = 14 : i64} {
  func.func @body(%arg0: i32, %arg1: i32, %arg2: memref<50000x128xf32, #tpu.memory_space<hbm>>, %arg3: memref<50000x128xf32, #tpu.memory_space<hbm>>, %arg4: memref<802816xi32, #tpu.memory_space<hbm>>, %arg5: memref<802816xi32, #tpu.memory_space<hbm>>, %arg6: memref<802816x128xf32, #tpu.memory_space<hbm>>, %arg7: memref<802816x128xf32, #tpu.memory_space<hbm>>, %arg8: memref<784xi32, #tpu.memory_space<vmem>>, %arg9: memref<784x128xf32, #tpu.memory_space<vmem>>, %arg10: memref<!tpu.dma_semaphore, #tpu.memory_space<semaphore_mem>>) attributes {dimension_semantics = [#tpu.dimension_semantics<core_parallel>, #tpu.dimension_semantics<subcore_parallel>], iteration_bounds = array<i64: 2, 16>, scalar_prefetch = 0 : i64, scratch_operands = 3 : i64, tpu.core_type = #tpu.core_type<sc_vector_subcore>, window_params = [{transform_indices = #map}, {transform_indices = #map}, {transform_indices = #map1}, {transform_indices = #map1}, {transform_indices = #map}, {transform_indices = #map}]} {
    %mul3A = arith.constant 2 : i32
    %mul3A_0 = arith.muli %arg1, %mul3A : i32
    %add3A = arith.addi %mul3A_0, %arg0 : i32
    %mul3A_1 = arith.constant 25088 : i32
    %mul3A_2 = arith.muli %add3A, %mul3A_1 : i32
    %scan3A = arith.constant 0 : i32
    %scan3A_3 = arith.constant 32 : i32
    %scan3A_4 = arith.addi %scan3A, %scan3A_3 : i32
    %scan3A_5 = arith.constant 1 : i32
    scf.for %scan3A_7 = %scan3A to %scan3A_4 step %scan3A_5  : i32 {
      %mul3A_8 = arith.constant 1 : i32
      %mul3A_9 = arith.muli %scan3A_7, %mul3A_8 : i32
      %add3A_10 = arith.constant 0 : i32
      %add3A_11 = arith.addi %add3A_10, %mul3A_9 : i32
      %mul3A_12 = arith.constant 784 : i32
      %mul3A_13 = arith.muli %add3A_11, %mul3A_12 : i32
      %add3A_14 = arith.addi %mul3A_2, %mul3A_13 : i32
      "tpu.region"() ({
        %run_scoped3A = tpu.sem_alloc : memref<!tpu.dma_semaphore, #tpu.memory_space<semaphore_mem>>
        %dma_start3A_25 = tpu.memref_slice %arg4[%add3A_14] : memref<802816xi32, #tpu.memory_space<hbm>> -> memref<784xi32, #tpu.memory_space<hbm>>
        %dma_start3A_26 = tpu.memref_slice %arg4[%add3A_14] : memref<802816xi32, #tpu.memory_space<hbm>> -> memref<784xi32, #tpu.memory_space<hbm>>
        tpu.enqueue_dma source(%dma_start3A_26 : memref<784xi32, #tpu.memory_space<hbm>>) target(%arg8 : memref<784xi32, #tpu.memory_space<vmem>>) target_semaphore(%run_scoped3A : memref<!tpu.dma_semaphore, #tpu.memory_space<semaphore_mem>>)
        %dma_wait3A_27 = tpu.memref_slice %arg4[%add3A_14] : memref<802816xi32, #tpu.memory_space<hbm>> -> memref<784xi32, #tpu.memory_space<hbm>>
        %dma_wait3A_28 = tpu.memref_slice %arg4[%add3A_14] : memref<802816xi32, #tpu.memory_space<hbm>> -> memref<784xi32, #tpu.memory_space<hbm>>
        tpu.wait_dma2 semaphore(%run_scoped3A : memref<!tpu.dma_semaphore, #tpu.memory_space<semaphore_mem>>) src(%dma_wait3A_28 : memref<784xi32, #tpu.memory_space<hbm>>) dst(%arg8 : memref<784xi32, #tpu.memory_space<vmem>>)
        tpu.yield
      }) : () -> ()
      %dma_start3A = arith.constant 0 : i32
      %dma_start3A_15 = arith.constant 0 : i32
      %dma_start3A_16 = tpu.memref_slice %arg2[%dma_start3A, %dma_start3A_15] : memref<50000x128xf32, #tpu.memory_space<hbm>> -> memref<50000x128xf32, #tpu.memory_space<hbm>>
      tpu.enqueue_indirect_dma source(%dma_start3A_16 : memref<50000x128xf32, #tpu.memory_space<hbm>>) target(%arg9 : memref<784x128xf32, #tpu.memory_space<vmem>>) offsets(%arg8 : memref<784xi32, #tpu.memory_space<vmem>>) semaphore(%arg10 : memref<!tpu.dma_semaphore, #tpu.memory_space<semaphore_mem>>)
      %dma_wait3A = arith.constant 0 : i32
      %dma_wait3A_17 = arith.constant 0 : i32
      %dma_wait3A_18 = tpu.memref_slice %arg2[%dma_wait3A, %dma_wait3A_17] : memref<50000x128xf32, #tpu.memory_space<hbm>> -> memref<50000x128xf32, #tpu.memory_space<hbm>>
      tpu.wait_indirect_dma semaphore(%arg10 : memref<!tpu.dma_semaphore, #tpu.memory_space<semaphore_mem>>) src(%dma_wait3A_18 : memref<50000x128xf32, #tpu.memory_space<hbm>>) dst(%arg9 : memref<784x128xf32, #tpu.memory_space<vmem>>)
      "tpu.region"() ({
        %run_scoped3A = tpu.sem_alloc : memref<!tpu.dma_semaphore, #tpu.memory_space<semaphore_mem>>
        %dma_start3A_25 = arith.constant 0 : i32
        %dma_start3A_26 = tpu.memref_slice %arg6[%add3A_14, %dma_start3A_25] : memref<802816x128xf32, #tpu.memory_space<hbm>> -> memref<784x128xf32, #tpu.memory_space<hbm>>
        %dma_start3A_27 = arith.constant 0 : i32
        %dma_start3A_28 = tpu.memref_slice %arg6[%add3A_14, %dma_start3A_27] : memref<802816x128xf32, #tpu.memory_space<hbm>> -> memref<784x128xf32, #tpu.memory_space<hbm>>
        tpu.enqueue_dma source(%arg9 : memref<784x128xf32, #tpu.memory_space<vmem>>) target(%dma_start3A_28 : memref<784x128xf32, #tpu.memory_space<hbm>>) target_semaphore(%run_scoped3A : memref<!tpu.dma_semaphore, #tpu.memory_space<semaphore_mem>>)
        %dma_wait3A_29 = arith.constant 0 : i32
        %dma_wait3A_30 = tpu.memref_slice %arg6[%add3A_14, %dma_wait3A_29] : memref<802816x128xf32, #tpu.memory_space<hbm>> -> memref<784x128xf32, #tpu.memory_space<hbm>>
        %dma_wait3A_31 = arith.constant 0 : i32
        %dma_wait3A_32 = tpu.memref_slice %arg6[%add3A_14, %dma_wait3A_31] : memref<802816x128xf32, #tpu.memory_space<hbm>> -> memref<784x128xf32, #tpu.memory_space<hbm>>
        tpu.wait_dma2 semaphore(%run_scoped3A : memref<!tpu.dma_semaphore, #tpu.memory_space<semaphore_mem>>) src(%arg9 : memref<784x128xf32, #tpu.memory_space<vmem>>) dst(%dma_wait3A_32 : memref<784x128xf32, #tpu.memory_space<hbm>>)
        tpu.yield
      }) : () -> ()
      "tpu.region"() ({
        %run_scoped3A = tpu.sem_alloc : memref<!tpu.dma_semaphore, #tpu.memory_space<semaphore_mem>>
        %dma_start3A_25 = tpu.memref_slice %arg5[%add3A_14] : memref<802816xi32, #tpu.memory_space<hbm>> -> memref<784xi32, #tpu.memory_space<hbm>>
        %dma_start3A_26 = tpu.memref_slice %arg5[%add3A_14] : memref<802816xi32, #tpu.memory_space<hbm>> -> memref<784xi32, #tpu.memory_space<hbm>>
        tpu.enqueue_dma source(%dma_start3A_26 : memref<784xi32, #tpu.memory_space<hbm>>) target(%arg8 : memref<784xi32, #tpu.memory_space<vmem>>) target_semaphore(%run_scoped3A : memref<!tpu.dma_semaphore, #tpu.memory_space<semaphore_mem>>)
        %dma_wait3A_27 = tpu.memref_slice %arg5[%add3A_14] : memref<802816xi32, #tpu.memory_space<hbm>> -> memref<784xi32, #tpu.memory_space<hbm>>
        %dma_wait3A_28 = tpu.memref_slice %arg5[%add3A_14] : memref<802816xi32, #tpu.memory_space<hbm>> -> memref<784xi32, #tpu.memory_space<hbm>>
        tpu.wait_dma2 semaphore(%run_scoped3A : memref<!tpu.dma_semaphore, #tpu.memory_space<semaphore_mem>>) src(%dma_wait3A_28 : memref<784xi32, #tpu.memory_space<hbm>>) dst(%arg8 : memref<784xi32, #tpu.memory_space<vmem>>)
        tpu.yield
      }) : () -> ()
      %dma_start3A_19 = arith.constant 0 : i32
      %dma_start3A_20 = arith.constant 0 : i32
      %dma_start3A_21 = tpu.memref_slice %arg3[%dma_start3A_19, %dma_start3A_20] : memref<50000x128xf32, #tpu.memory_space<hbm>> -> memref<50000x128xf32, #tpu.memory_space<hbm>>
      tpu.enqueue_indirect_dma source(%dma_start3A_21 : memref<50000x128xf32, #tpu.memory_space<hbm>>) target(%arg9 : memref<784x128xf32, #tpu.memory_space<vmem>>) offsets(%arg8 : memref<784xi32, #tpu.memory_space<vmem>>) semaphore(%arg10 : memref<!tpu.dma_semaphore, #tpu.memory_space<semaphore_mem>>)
      %dma_wait3A_22 = arith.constant 0 : i32
      %dma_wait3A_23 = arith.constant 0 : i32
      %dma_wait3A_24 = tpu.memref_slice %arg3[%dma_wait3A_22, %dma_wait3A_23] : memref<50000x128xf32, #tpu.memory_space<hbm>> -> memref<50000x128xf32, #tpu.memory_space<hbm>>
      tpu.wait_indirect_dma semaphore(%arg10 : memref<!tpu.dma_semaphore, #tpu.memory_space<semaphore_mem>>) src(%dma_wait3A_24 : memref<50000x128xf32, #tpu.memory_space<hbm>>) dst(%arg9 : memref<784x128xf32, #tpu.memory_space<vmem>>)
      "tpu.region"() ({
        %run_scoped3A = tpu.sem_alloc : memref<!tpu.dma_semaphore, #tpu.memory_space<semaphore_mem>>
        %dma_start3A_25 = arith.constant 0 : i32
        %dma_start3A_26 = tpu.memref_slice %arg7[%add3A_14, %dma_start3A_25] : memref<802816x128xf32, #tpu.memory_space<hbm>> -> memref<784x128xf32, #tpu.memory_space<hbm>>
        %dma_start3A_27 = arith.constant 0 : i32
        %dma_start3A_28 = tpu.memref_slice %arg7[%add3A_14, %dma_start3A_27] : memref<802816x128xf32, #tpu.memory_space<hbm>> -> memref<784x128xf32, #tpu.memory_space<hbm>>
        tpu.enqueue_dma source(%arg9 : memref<784x128xf32, #tpu.memory_space<vmem>>) target(%dma_start3A_28 : memref<784x128xf32, #tpu.memory_space<hbm>>) target_semaphore(%run_scoped3A : memref<!tpu.dma_semaphore, #tpu.memory_space<semaphore_mem>>)
        %dma_wait3A_29 = arith.constant 0 : i32
        %dma_wait3A_30 = tpu.memref_slice %arg7[%add3A_14, %dma_wait3A_29] : memref<802816x128xf32, #tpu.memory_space<hbm>> -> memref<784x128xf32, #tpu.memory_space<hbm>>
        %dma_wait3A_31 = arith.constant 0 : i32
        %dma_wait3A_32 = tpu.memref_slice %arg7[%add3A_14, %dma_wait3A_31] : memref<802816x128xf32, #tpu.memory_space<hbm>> -> memref<784x128xf32, #tpu.memory_space<hbm>>
        tpu.wait_dma2 semaphore(%run_scoped3A : memref<!tpu.dma_semaphore, #tpu.memory_space<semaphore_mem>>) src(%arg9 : memref<784x128xf32, #tpu.memory_space<vmem>>) dst(%dma_wait3A_32 : memref<784x128xf32, #tpu.memory_space<hbm>>)
        tpu.yield
      }) : () -> ()
    }
    %scan3A_6 = arith.constant 32 : i32
    return
  }
}

#map = affine_map<(d0, d1) -> (0, 0)>
#map1 = affine_map<(d0, d1) -> (0)>
#map2 = affine_map<(d0, d1) -> (0, 0, 0)>
module attributes {stable_mosaic.version = 14 : i64} {
  func.func @body(%arg0: i32, %arg1: i32, %arg2: memref<802816x32xf32, #tpu.memory_space<hbm>>, %arg3: memref<802816x32xf32, #tpu.memory_space<hbm>>, %arg4: memref<802816xi32, #tpu.memory_space<hbm>>, %arg5: memref<51200x32xf32, #tpu.memory_space<hbm>>, %arg6: memref<2x51200x32xf32, #tpu.memory_space<hbm>>, %arg7: memref<512xi32, #tpu.memory_space<vmem>>, %arg8: memref<512x32xf32, #tpu.memory_space<vmem>>, %arg9: memref<51200x32xf32, #tpu.memory_space<vmem_shared>>) attributes {dimension_semantics = [#tpu.dimension_semantics<core_parallel>, #tpu.dimension_semantics<subcore_parallel>], iteration_bounds = array<i64: 2, 16>, scalar_prefetch = 0 : i64, scratch_operands = 3 : i64, tpu.core_type = #tpu.core_type<sc_vector_subcore>, window_params = [{transform_indices = #map}, {transform_indices = #map}, {transform_indices = #map1}, {transform_indices = #map}, {transform_indices = #map2}]} {
    %mul3A = arith.constant 3200 : i32
    %mul3A_0 = arith.muli %arg1, %mul3A : i32
    %mul3A_1 = arith.constant 3200 : i32
    %mul3A_2 = arith.muli %arg1, %mul3A_1 : i32
    "tpu.region"() ({
      %run_scoped3A = tpu.sem_alloc : memref<!tpu.dma_semaphore, #tpu.memory_space<semaphore_mem>>
      %dma_start3A = arith.constant 0 : i32
      %dma_start3A_15 = tpu.memref_slice %arg9[%mul3A_2, %dma_start3A] : memref<51200x32xf32, #tpu.memory_space<vmem_shared>> -> memref<3200x32xf32, #tpu.memory_space<vmem_shared>>
      %dma_start3A_16 = arith.constant 0 : i32
      %dma_start3A_17 = tpu.memref_slice %arg5[%mul3A_0, %dma_start3A_16] : memref<51200x32xf32, #tpu.memory_space<hbm>> -> memref<3200x32xf32, #tpu.memory_space<hbm>>
      tpu.enqueue_dma source(%dma_start3A_17 : memref<3200x32xf32, #tpu.memory_space<hbm>>) target(%dma_start3A_15 : memref<3200x32xf32, #tpu.memory_space<vmem_shared>>) target_semaphore(%run_scoped3A : memref<!tpu.dma_semaphore, #tpu.memory_space<semaphore_mem>>)
      %dma_wait3A = arith.constant 0 : i32
      %dma_wait3A_18 = tpu.memref_slice %arg9[%mul3A_2, %dma_wait3A] : memref<51200x32xf32, #tpu.memory_space<vmem_shared>> -> memref<3200x32xf32, #tpu.memory_space<vmem_shared>>
      %dma_wait3A_19 = arith.constant 0 : i32
      %dma_wait3A_20 = tpu.memref_slice %arg5[%mul3A_0, %dma_wait3A_19] : memref<51200x32xf32, #tpu.memory_space<hbm>> -> memref<3200x32xf32, #tpu.memory_space<hbm>>
      tpu.wait_dma2 semaphore(%run_scoped3A : memref<!tpu.dma_semaphore, #tpu.memory_space<semaphore_mem>>) src(%dma_wait3A_20 : memref<3200x32xf32, #tpu.memory_space<hbm>>) dst(%dma_wait3A_18 : memref<3200x32xf32, #tpu.memory_space<vmem_shared>>)
      tpu.yield
    }) : () -> ()
    %barrier3A = arith.constant 0 : index
    tpu.barrier barrier_id(%barrier3A)
    %eq3A = arith.constant 0 : i32
    %eq3A_3 = arith.cmpi eq, %arg0, %eq3A : i32
    %convert_element_type3A = arith.extui %eq3A_3 : i1 to i32
    %cond3A = arith.constant 0 : i32
    %cond3A_4 = arith.cmpi ne, %convert_element_type3A, %cond3A : i32
    scf.if %cond3A_4 {
      %scan3A = arith.constant 0 : i32
      %scan3A_15 = arith.constant 98 : i32
      %scan3A_16 = arith.addi %scan3A, %scan3A_15 : i32
      %scan3A_17 = arith.constant 1 : i32
      scf.for %scan3A_19 = %scan3A to %scan3A_16 step %scan3A_17  : i32 {
        %mul3A_20 = arith.constant 1 : i32
        %mul3A_21 = arith.muli %scan3A_19, %mul3A_20 : i32
        %add3A = arith.constant 0 : i32
        %add3A_22 = arith.addi %add3A, %mul3A_21 : i32
        %mul3A_23 = arith.constant 50176 : i32
        %mul3A_24 = arith.muli %arg1, %mul3A_23 : i32
        %mul3A_25 = arith.constant 512 : i32
        %mul3A_26 = arith.muli %add3A_22, %mul3A_25 : i32
        %add3A_27 = arith.addi %mul3A_24, %mul3A_26 : i32
        "tpu.region"() ({
          %run_scoped3A = tpu.sem_alloc : memref<!tpu.dma_semaphore, #tpu.memory_space<semaphore_mem>>
          %dma_start3A = tpu.memref_slice %arg4[%add3A_27] : memref<802816xi32, #tpu.memory_space<hbm>> -> memref<512xi32, #tpu.memory_space<hbm>>
          %dma_start3A_28 = tpu.memref_slice %arg4[%add3A_27] : memref<802816xi32, #tpu.memory_space<hbm>> -> memref<512xi32, #tpu.memory_space<hbm>>
          tpu.enqueue_dma source(%dma_start3A_28 : memref<512xi32, #tpu.memory_space<hbm>>) target(%arg7 : memref<512xi32, #tpu.memory_space<vmem>>) target_semaphore(%run_scoped3A : memref<!tpu.dma_semaphore, #tpu.memory_space<semaphore_mem>>)
          %dma_wait3A = tpu.memref_slice %arg4[%add3A_27] : memref<802816xi32, #tpu.memory_space<hbm>> -> memref<512xi32, #tpu.memory_space<hbm>>
          %dma_wait3A_29 = tpu.memref_slice %arg4[%add3A_27] : memref<802816xi32, #tpu.memory_space<hbm>> -> memref<512xi32, #tpu.memory_space<hbm>>
          tpu.wait_dma2 semaphore(%run_scoped3A : memref<!tpu.dma_semaphore, #tpu.memory_space<semaphore_mem>>) src(%dma_wait3A_29 : memref<512xi32, #tpu.memory_space<hbm>>) dst(%arg7 : memref<512xi32, #tpu.memory_space<vmem>>)
          tpu.yield
        }) : () -> ()
        "tpu.region"() ({
          %run_scoped3A = tpu.sem_alloc : memref<!tpu.dma_semaphore, #tpu.memory_space<semaphore_mem>>
          %dma_start3A = arith.constant 0 : i32
          %dma_start3A_28 = tpu.memref_slice %arg2[%add3A_27, %dma_start3A] : memref<802816x32xf32, #tpu.memory_space<hbm>> -> memref<512x32xf32, #tpu.memory_space<hbm>>
          %dma_start3A_29 = arith.constant 0 : i32
          %dma_start3A_30 = tpu.memref_slice %arg2[%add3A_27, %dma_start3A_29] : memref<802816x32xf32, #tpu.memory_space<hbm>> -> memref<512x32xf32, #tpu.memory_space<hbm>>
          tpu.enqueue_dma source(%dma_start3A_30 : memref<512x32xf32, #tpu.memory_space<hbm>>) target(%arg8 : memref<512x32xf32, #tpu.memory_space<vmem>>) target_semaphore(%run_scoped3A : memref<!tpu.dma_semaphore, #tpu.memory_space<semaphore_mem>>)
          %dma_wait3A = arith.constant 0 : i32
          %dma_wait3A_31 = tpu.memref_slice %arg2[%add3A_27, %dma_wait3A] : memref<802816x32xf32, #tpu.memory_space<hbm>> -> memref<512x32xf32, #tpu.memory_space<hbm>>
          %dma_wait3A_32 = arith.constant 0 : i32
          %dma_wait3A_33 = tpu.memref_slice %arg2[%add3A_27, %dma_wait3A_32] : memref<802816x32xf32, #tpu.memory_space<hbm>> -> memref<512x32xf32, #tpu.memory_space<hbm>>
          tpu.wait_dma2 semaphore(%run_scoped3A : memref<!tpu.dma_semaphore, #tpu.memory_space<semaphore_mem>>) src(%dma_wait3A_33 : memref<512x32xf32, #tpu.memory_space<hbm>>) dst(%arg8 : memref<512x32xf32, #tpu.memory_space<vmem>>)
          tpu.yield
        }) : () -> ()
        "tpu.region"() ({
          %run_scoped3A = tpu.sem_alloc : memref<!tpu.dma_semaphore, #tpu.memory_space<semaphore_mem>>
          %dma_start3A = arith.constant 0 : i32
          %dma_start3A_28 = arith.constant 0 : i32
          %dma_start3A_29 = tpu.memref_slice %arg9[%dma_start3A, %dma_start3A_28] : memref<51200x32xf32, #tpu.memory_space<vmem_shared>> -> memref<51200x32xf32, #tpu.memory_space<vmem_shared>>
          tpu.enqueue_indirect_dma source(%arg8 : memref<512x32xf32, #tpu.memory_space<vmem>>) target(%dma_start3A_29 : memref<51200x32xf32, #tpu.memory_space<vmem_shared>>) offsets(%arg7 : memref<512xi32, #tpu.memory_space<vmem>>) semaphore(%run_scoped3A : memref<!tpu.dma_semaphore, #tpu.memory_space<semaphore_mem>>) {add = true}
          %dma_wait3A = arith.constant 0 : i32
          %dma_wait3A_30 = arith.constant 0 : i32
          %dma_wait3A_31 = tpu.memref_slice %arg9[%dma_wait3A, %dma_wait3A_30] : memref<51200x32xf32, #tpu.memory_space<vmem_shared>> -> memref<51200x32xf32, #tpu.memory_space<vmem_shared>>
          tpu.wait_indirect_dma semaphore(%run_scoped3A : memref<!tpu.dma_semaphore, #tpu.memory_space<semaphore_mem>>) src(%arg8 : memref<512x32xf32, #tpu.memory_space<vmem>>) dst(%dma_wait3A_31 : memref<51200x32xf32, #tpu.memory_space<vmem_shared>>)
          tpu.yield
        }) : () -> ()
      }
      %scan3A_18 = arith.constant 98 : i32
    } else {
    }
    %eq3A_5 = arith.constant 1 : i32
    %eq3A_6 = arith.cmpi eq, %arg0, %eq3A_5 : i32
    %convert_element_type3A_7 = arith.extui %eq3A_6 : i1 to i32
    %cond3A_8 = arith.constant 0 : i32
    %cond3A_9 = arith.cmpi ne, %convert_element_type3A_7, %cond3A_8 : i32
    scf.if %cond3A_9 {
      %scan3A = arith.constant 0 : i32
      %scan3A_15 = arith.constant 98 : i32
      %scan3A_16 = arith.addi %scan3A, %scan3A_15 : i32
      %scan3A_17 = arith.constant 1 : i32
      scf.for %scan3A_19 = %scan3A to %scan3A_16 step %scan3A_17  : i32 {
        %mul3A_20 = arith.constant 1 : i32
        %mul3A_21 = arith.muli %scan3A_19, %mul3A_20 : i32
        %add3A = arith.constant 0 : i32
        %add3A_22 = arith.addi %add3A, %mul3A_21 : i32
        %mul3A_23 = arith.constant 50176 : i32
        %mul3A_24 = arith.muli %arg1, %mul3A_23 : i32
        %mul3A_25 = arith.constant 512 : i32
        %mul3A_26 = arith.muli %add3A_22, %mul3A_25 : i32
        %add3A_27 = arith.addi %mul3A_24, %mul3A_26 : i32
        "tpu.region"() ({
          %run_scoped3A = tpu.sem_alloc : memref<!tpu.dma_semaphore, #tpu.memory_space<semaphore_mem>>
          %dma_start3A = tpu.memref_slice %arg4[%add3A_27] : memref<802816xi32, #tpu.memory_space<hbm>> -> memref<512xi32, #tpu.memory_space<hbm>>
          %dma_start3A_28 = tpu.memref_slice %arg4[%add3A_27] : memref<802816xi32, #tpu.memory_space<hbm>> -> memref<512xi32, #tpu.memory_space<hbm>>
          tpu.enqueue_dma source(%dma_start3A_28 : memref<512xi32, #tpu.memory_space<hbm>>) target(%arg7 : memref<512xi32, #tpu.memory_space<vmem>>) target_semaphore(%run_scoped3A : memref<!tpu.dma_semaphore, #tpu.memory_space<semaphore_mem>>)
          %dma_wait3A = tpu.memref_slice %arg4[%add3A_27] : memref<802816xi32, #tpu.memory_space<hbm>> -> memref<512xi32, #tpu.memory_space<hbm>>
          %dma_wait3A_29 = tpu.memref_slice %arg4[%add3A_27] : memref<802816xi32, #tpu.memory_space<hbm>> -> memref<512xi32, #tpu.memory_space<hbm>>
          tpu.wait_dma2 semaphore(%run_scoped3A : memref<!tpu.dma_semaphore, #tpu.memory_space<semaphore_mem>>) src(%dma_wait3A_29 : memref<512xi32, #tpu.memory_space<hbm>>) dst(%arg7 : memref<512xi32, #tpu.memory_space<vmem>>)
          tpu.yield
        }) : () -> ()
        "tpu.region"() ({
          %run_scoped3A = tpu.sem_alloc : memref<!tpu.dma_semaphore, #tpu.memory_space<semaphore_mem>>
          %dma_start3A = arith.constant 0 : i32
          %dma_start3A_28 = tpu.memref_slice %arg3[%add3A_27, %dma_start3A] : memref<802816x32xf32, #tpu.memory_space<hbm>> -> memref<512x32xf32, #tpu.memory_space<hbm>>
          %dma_start3A_29 = arith.constant 0 : i32
          %dma_start3A_30 = tpu.memref_slice %arg3[%add3A_27, %dma_start3A_29] : memref<802816x32xf32, #tpu.memory_space<hbm>> -> memref<512x32xf32, #tpu.memory_space<hbm>>
          tpu.enqueue_dma source(%dma_start3A_30 : memref<512x32xf32, #tpu.memory_space<hbm>>) target(%arg8 : memref<512x32xf32, #tpu.memory_space<vmem>>) target_semaphore(%run_scoped3A : memref<!tpu.dma_semaphore, #tpu.memory_space<semaphore_mem>>)
          %dma_wait3A = arith.constant 0 : i32
          %dma_wait3A_31 = tpu.memref_slice %arg3[%add3A_27, %dma_wait3A] : memref<802816x32xf32, #tpu.memory_space<hbm>> -> memref<512x32xf32, #tpu.memory_space<hbm>>
          %dma_wait3A_32 = arith.constant 0 : i32
          %dma_wait3A_33 = tpu.memref_slice %arg3[%add3A_27, %dma_wait3A_32] : memref<802816x32xf32, #tpu.memory_space<hbm>> -> memref<512x32xf32, #tpu.memory_space<hbm>>
          tpu.wait_dma2 semaphore(%run_scoped3A : memref<!tpu.dma_semaphore, #tpu.memory_space<semaphore_mem>>) src(%dma_wait3A_33 : memref<512x32xf32, #tpu.memory_space<hbm>>) dst(%arg8 : memref<512x32xf32, #tpu.memory_space<vmem>>)
          tpu.yield
        }) : () -> ()
        "tpu.region"() ({
          %run_scoped3A = tpu.sem_alloc : memref<!tpu.dma_semaphore, #tpu.memory_space<semaphore_mem>>
          %dma_start3A = arith.constant 0 : i32
          %dma_start3A_28 = arith.constant 0 : i32
          %dma_start3A_29 = tpu.memref_slice %arg9[%dma_start3A, %dma_start3A_28] : memref<51200x32xf32, #tpu.memory_space<vmem_shared>> -> memref<51200x32xf32, #tpu.memory_space<vmem_shared>>
          tpu.enqueue_indirect_dma source(%arg8 : memref<512x32xf32, #tpu.memory_space<vmem>>) target(%dma_start3A_29 : memref<51200x32xf32, #tpu.memory_space<vmem_shared>>) offsets(%arg7 : memref<512xi32, #tpu.memory_space<vmem>>) semaphore(%run_scoped3A : memref<!tpu.dma_semaphore, #tpu.memory_space<semaphore_mem>>) {add = true}
          %dma_wait3A = arith.constant 0 : i32
          %dma_wait3A_30 = arith.constant 0 : i32
          %dma_wait3A_31 = tpu.memref_slice %arg9[%dma_wait3A, %dma_wait3A_30] : memref<51200x32xf32, #tpu.memory_space<vmem_shared>> -> memref<51200x32xf32, #tpu.memory_space<vmem_shared>>
          tpu.wait_indirect_dma semaphore(%run_scoped3A : memref<!tpu.dma_semaphore, #tpu.memory_space<semaphore_mem>>) src(%arg8 : memref<512x32xf32, #tpu.memory_space<vmem>>) dst(%dma_wait3A_31 : memref<51200x32xf32, #tpu.memory_space<vmem_shared>>)
          tpu.yield
        }) : () -> ()
      }
      %scan3A_18 = arith.constant 98 : i32
    } else {
    }
    %barrier3A_10 = arith.constant 0 : index
    tpu.barrier barrier_id(%barrier3A_10)
    %mul3A_11 = arith.constant 3200 : i32
    %mul3A_12 = arith.muli %arg1, %mul3A_11 : i32
    %mul3A_13 = arith.constant 3200 : i32
    %mul3A_14 = arith.muli %arg1, %mul3A_13 : i32
    "tpu.region"() ({
      %run_scoped3A = tpu.sem_alloc : memref<!tpu.dma_semaphore, #tpu.memory_space<semaphore_mem>>
      %dma_start3A = arith.constant 0 : i32
      %dma_start3A_15 = tpu.memref_slice %arg6[%arg0, %mul3A_14, %dma_start3A] : memref<2x51200x32xf32, #tpu.memory_space<hbm>> -> memref<1x3200x32xf32, #tpu.memory_space<hbm>>
      %dma_start3A_16 = tpu.memref_squeeze %dma_start3A_15 : memref<1x3200x32xf32, #tpu.memory_space<hbm>> -> memref<3200x32xf32, #tpu.memory_space<hbm>>
      %dma_start3A_17 = arith.constant 0 : i32
      %dma_start3A_18 = tpu.memref_slice %arg9[%mul3A_12, %dma_start3A_17] : memref<51200x32xf32, #tpu.memory_space<vmem_shared>> -> memref<3200x32xf32, #tpu.memory_space<vmem_shared>>
      tpu.enqueue_dma source(%dma_start3A_18 : memref<3200x32xf32, #tpu.memory_space<vmem_shared>>) target(%dma_start3A_16 : memref<3200x32xf32, #tpu.memory_space<hbm>>) target_semaphore(%run_scoped3A : memref<!tpu.dma_semaphore, #tpu.memory_space<semaphore_mem>>)
      %dma_wait3A = arith.constant 0 : i32
      %dma_wait3A_19 = tpu.memref_slice %arg6[%arg0, %mul3A_14, %dma_wait3A] : memref<2x51200x32xf32, #tpu.memory_space<hbm>> -> memref<1x3200x32xf32, #tpu.memory_space<hbm>>
      %dma_wait3A_20 = tpu.memref_squeeze %dma_wait3A_19 : memref<1x3200x32xf32, #tpu.memory_space<hbm>> -> memref<3200x32xf32, #tpu.memory_space<hbm>>
      %dma_wait3A_21 = arith.constant 0 : i32
      %dma_wait3A_22 = tpu.memref_slice %arg9[%mul3A_12, %dma_wait3A_21] : memref<51200x32xf32, #tpu.memory_space<vmem_shared>> -> memref<3200x32xf32, #tpu.memory_space<vmem_shared>>
      tpu.wait_dma2 semaphore(%run_scoped3A : memref<!tpu.dma_semaphore, #tpu.memory_space<semaphore_mem>>) src(%dma_wait3A_22 : memref<3200x32xf32, #tpu.memory_space<vmem_shared>>) dst(%dma_wait3A_20 : memref<3200x32xf32, #tpu.memory_space<hbm>>)
      tpu.yield
    }) : () -> ()
    return
  }
}

#map = affine_map<(d0, d1) -> (0, 0)>
#map1 = affine_map<(d0, d1) -> (0)>
#map2 = affine_map<(d0, d1) -> (0, 0, 0)>
module attributes {stable_mosaic.version = 14 : i64} {
  func.func @body(%arg0: i32, %arg1: i32, %arg2: memref<802816x16xf32, #tpu.memory_space<hbm>>, %arg3: memref<802816xi32, #tpu.memory_space<hbm>>, %arg4: memref<51200x16xf32, #tpu.memory_space<hbm>>, %arg5: memref<2x51200x16xf32, #tpu.memory_space<hbm>>, %arg6: memref<896xi32, #tpu.memory_space<vmem>>, %arg7: memref<896x16xf32, #tpu.memory_space<vmem>>, %arg8: memref<51200x16xf32, #tpu.memory_space<vmem_shared>>) attributes {dimension_semantics = [#tpu.dimension_semantics<core_parallel>, #tpu.dimension_semantics<subcore_parallel>], iteration_bounds = array<i64: 2, 16>, scalar_prefetch = 0 : i64, scratch_operands = 3 : i64, tpu.core_type = #tpu.core_type<sc_vector_subcore>, window_params = [{transform_indices = #map}, {transform_indices = #map1}, {transform_indices = #map}, {transform_indices = #map2}]} {
    %mul3A = arith.constant 3200 : i32
    %mul3A_0 = arith.muli %arg1, %mul3A : i32
    %mul3A_1 = arith.constant 3200 : i32
    %mul3A_2 = arith.muli %arg1, %mul3A_1 : i32
    "tpu.region"() ({
      %run_scoped3A = tpu.sem_alloc : memref<!tpu.dma_semaphore, #tpu.memory_space<semaphore_mem>>
      %dma_start3A = arith.constant 0 : i32
      %dma_start3A_16 = tpu.memref_slice %arg8[%mul3A_2, %dma_start3A] : memref<51200x16xf32, #tpu.memory_space<vmem_shared>> -> memref<3200x16xf32, #tpu.memory_space<vmem_shared>>
      %dma_start3A_17 = arith.constant 0 : i32
      %dma_start3A_18 = tpu.memref_slice %arg4[%mul3A_0, %dma_start3A_17] : memref<51200x16xf32, #tpu.memory_space<hbm>> -> memref<3200x16xf32, #tpu.memory_space<hbm>>
      tpu.enqueue_dma source(%dma_start3A_18 : memref<3200x16xf32, #tpu.memory_space<hbm>>) target(%dma_start3A_16 : memref<3200x16xf32, #tpu.memory_space<vmem_shared>>) target_semaphore(%run_scoped3A : memref<!tpu.dma_semaphore, #tpu.memory_space<semaphore_mem>>)
      %dma_wait3A = arith.constant 0 : i32
      %dma_wait3A_19 = tpu.memref_slice %arg8[%mul3A_2, %dma_wait3A] : memref<51200x16xf32, #tpu.memory_space<vmem_shared>> -> memref<3200x16xf32, #tpu.memory_space<vmem_shared>>
      %dma_wait3A_20 = arith.constant 0 : i32
      %dma_wait3A_21 = tpu.memref_slice %arg4[%mul3A_0, %dma_wait3A_20] : memref<51200x16xf32, #tpu.memory_space<hbm>> -> memref<3200x16xf32, #tpu.memory_space<hbm>>
      tpu.wait_dma2 semaphore(%run_scoped3A : memref<!tpu.dma_semaphore, #tpu.memory_space<semaphore_mem>>) src(%dma_wait3A_21 : memref<3200x16xf32, #tpu.memory_space<hbm>>) dst(%dma_wait3A_19 : memref<3200x16xf32, #tpu.memory_space<vmem_shared>>)
      tpu.yield
    }) : () -> ()
    %barrier3A = arith.constant 0 : index
    tpu.barrier barrier_id(%barrier3A)
    %mul3A_3 = arith.constant 2 : i32
    %mul3A_4 = arith.muli %arg1, %mul3A_3 : i32
    %add3A = arith.addi %mul3A_4, %arg0 : i32
    %mul3A_5 = arith.constant 25088 : i32
    %mul3A_6 = arith.muli %add3A, %mul3A_5 : i32
    %scan3A = arith.constant 0 : i32
    %scan3A_7 = arith.constant 28 : i32
    %scan3A_8 = arith.addi %scan3A, %scan3A_7 : i32
    %scan3A_9 = arith.constant 1 : i32
    scf.for %scan3A_16 = %scan3A to %scan3A_8 step %scan3A_9  : i32 {
      %mul3A_17 = arith.constant 1 : i32
      %mul3A_18 = arith.muli %scan3A_16, %mul3A_17 : i32
      %add3A_19 = arith.constant 0 : i32
      %add3A_20 = arith.addi %add3A_19, %mul3A_18 : i32
      %mul3A_21 = arith.constant 896 : i32
      %mul3A_22 = arith.muli %add3A_20, %mul3A_21 : i32
      %add3A_23 = arith.addi %mul3A_6, %mul3A_22 : i32
      "tpu.region"() ({
        %run_scoped3A = tpu.sem_alloc : memref<!tpu.dma_semaphore, #tpu.memory_space<semaphore_mem>>
        %dma_start3A = tpu.memref_slice %arg3[%add3A_23] : memref<802816xi32, #tpu.memory_space<hbm>> -> memref<896xi32, #tpu.memory_space<hbm>>
        %dma_start3A_24 = tpu.memref_slice %arg3[%add3A_23] : memref<802816xi32, #tpu.memory_space<hbm>> -> memref<896xi32, #tpu.memory_space<hbm>>
        tpu.enqueue_dma source(%dma_start3A_24 : memref<896xi32, #tpu.memory_space<hbm>>) target(%arg6 : memref<896xi32, #tpu.memory_space<vmem>>) target_semaphore(%run_scoped3A : memref<!tpu.dma_semaphore, #tpu.memory_space<semaphore_mem>>)
        %dma_wait3A = tpu.memref_slice %arg3[%add3A_23] : memref<802816xi32, #tpu.memory_space<hbm>> -> memref<896xi32, #tpu.memory_space<hbm>>
        %dma_wait3A_25 = tpu.memref_slice %arg3[%add3A_23] : memref<802816xi32, #tpu.memory_space<hbm>> -> memref<896xi32, #tpu.memory_space<hbm>>
        tpu.wait_dma2 semaphore(%run_scoped3A : memref<!tpu.dma_semaphore, #tpu.memory_space<semaphore_mem>>) src(%dma_wait3A_25 : memref<896xi32, #tpu.memory_space<hbm>>) dst(%arg6 : memref<896xi32, #tpu.memory_space<vmem>>)
        tpu.yield
      }) : () -> ()
      "tpu.region"() ({
        %run_scoped3A = tpu.sem_alloc : memref<!tpu.dma_semaphore, #tpu.memory_space<semaphore_mem>>
        %dma_start3A = arith.constant 0 : i32
        %dma_start3A_24 = tpu.memref_slice %arg2[%add3A_23, %dma_start3A] : memref<802816x16xf32, #tpu.memory_space<hbm>> -> memref<896x16xf32, #tpu.memory_space<hbm>>
        %dma_start3A_25 = arith.constant 0 : i32
        %dma_start3A_26 = tpu.memref_slice %arg2[%add3A_23, %dma_start3A_25] : memref<802816x16xf32, #tpu.memory_space<hbm>> -> memref<896x16xf32, #tpu.memory_space<hbm>>
        tpu.enqueue_dma source(%dma_start3A_26 : memref<896x16xf32, #tpu.memory_space<hbm>>) target(%arg7 : memref<896x16xf32, #tpu.memory_space<vmem>>) target_semaphore(%run_scoped3A : memref<!tpu.dma_semaphore, #tpu.memory_space<semaphore_mem>>)
        %dma_wait3A = arith.constant 0 : i32
        %dma_wait3A_27 = tpu.memref_slice %arg2[%add3A_23, %dma_wait3A] : memref<802816x16xf32, #tpu.memory_space<hbm>> -> memref<896x16xf32, #tpu.memory_space<hbm>>
        %dma_wait3A_28 = arith.constant 0 : i32
        %dma_wait3A_29 = tpu.memref_slice %arg2[%add3A_23, %dma_wait3A_28] : memref<802816x16xf32, #tpu.memory_space<hbm>> -> memref<896x16xf32, #tpu.memory_space<hbm>>
        tpu.wait_dma2 semaphore(%run_scoped3A : memref<!tpu.dma_semaphore, #tpu.memory_space<semaphore_mem>>) src(%dma_wait3A_29 : memref<896x16xf32, #tpu.memory_space<hbm>>) dst(%arg7 : memref<896x16xf32, #tpu.memory_space<vmem>>)
        tpu.yield
      }) : () -> ()
      "tpu.region"() ({
        %run_scoped3A = tpu.sem_alloc : memref<!tpu.dma_semaphore, #tpu.memory_space<semaphore_mem>>
        %dma_start3A = arith.constant 0 : i32
        %dma_start3A_24 = arith.constant 0 : i32
        %dma_start3A_25 = tpu.memref_slice %arg8[%dma_start3A, %dma_start3A_24] : memref<51200x16xf32, #tpu.memory_space<vmem_shared>> -> memref<51200x16xf32, #tpu.memory_space<vmem_shared>>
        tpu.enqueue_indirect_dma source(%arg7 : memref<896x16xf32, #tpu.memory_space<vmem>>) target(%dma_start3A_25 : memref<51200x16xf32, #tpu.memory_space<vmem_shared>>) offsets(%arg6 : memref<896xi32, #tpu.memory_space<vmem>>) semaphore(%run_scoped3A : memref<!tpu.dma_semaphore, #tpu.memory_space<semaphore_mem>>) {add = true}
        %dma_wait3A = arith.constant 0 : i32
        %dma_wait3A_26 = arith.constant 0 : i32
        %dma_wait3A_27 = tpu.memref_slice %arg8[%dma_wait3A, %dma_wait3A_26] : memref<51200x16xf32, #tpu.memory_space<vmem_shared>> -> memref<51200x16xf32, #tpu.memory_space<vmem_shared>>
        tpu.wait_indirect_dma semaphore(%run_scoped3A : memref<!tpu.dma_semaphore, #tpu.memory_space<semaphore_mem>>) src(%arg7 : memref<896x16xf32, #tpu.memory_space<vmem>>) dst(%dma_wait3A_27 : memref<51200x16xf32, #tpu.memory_space<vmem_shared>>)
        tpu.yield
      }) : () -> ()
    }
    %scan3A_10 = arith.constant 28 : i32
    %barrier3A_11 = arith.constant 0 : index
    tpu.barrier barrier_id(%barrier3A_11)
    %mul3A_12 = arith.constant 3200 : i32
    %mul3A_13 = arith.muli %arg1, %mul3A_12 : i32
    %mul3A_14 = arith.constant 3200 : i32
    %mul3A_15 = arith.muli %arg1, %mul3A_14 : i32
    "tpu.region"() ({
      %run_scoped3A = tpu.sem_alloc : memref<!tpu.dma_semaphore, #tpu.memory_space<semaphore_mem>>
      %dma_start3A = arith.constant 0 : i32
      %dma_start3A_16 = tpu.memref_slice %arg5[%arg0, %mul3A_15, %dma_start3A] : memref<2x51200x16xf32, #tpu.memory_space<hbm>> -> memref<1x3200x16xf32, #tpu.memory_space<hbm>>
      %dma_start3A_17 = tpu.memref_squeeze %dma_start3A_16 : memref<1x3200x16xf32, #tpu.memory_space<hbm>> -> memref<3200x16xf32, #tpu.memory_space<hbm>>
      %dma_start3A_18 = arith.constant 0 : i32
      %dma_start3A_19 = tpu.memref_slice %arg8[%mul3A_13, %dma_start3A_18] : memref<51200x16xf32, #tpu.memory_space<vmem_shared>> -> memref<3200x16xf32, #tpu.memory_space<vmem_shared>>
      tpu.enqueue_dma source(%dma_start3A_19 : memref<3200x16xf32, #tpu.memory_space<vmem_shared>>) target(%dma_start3A_17 : memref<3200x16xf32, #tpu.memory_space<hbm>>) target_semaphore(%run_scoped3A : memref<!tpu.dma_semaphore, #tpu.memory_space<semaphore_mem>>)
      %dma_wait3A = arith.constant 0 : i32
      %dma_wait3A_20 = tpu.memref_slice %arg5[%arg0, %mul3A_15, %dma_wait3A] : memref<2x51200x16xf32, #tpu.memory_space<hbm>> -> memref<1x3200x16xf32, #tpu.memory_space<hbm>>
      %dma_wait3A_21 = tpu.memref_squeeze %dma_wait3A_20 : memref<1x3200x16xf32, #tpu.memory_space<hbm>> -> memref<3200x16xf32, #tpu.memory_space<hbm>>
      %dma_wait3A_22 = arith.constant 0 : i32
      %dma_wait3A_23 = tpu.memref_slice %arg8[%mul3A_13, %dma_wait3A_22] : memref<51200x16xf32, #tpu.memory_space<vmem_shared>> -> memref<3200x16xf32, #tpu.memory_space<vmem_shared>>
      tpu.wait_dma2 semaphore(%run_scoped3A : memref<!tpu.dma_semaphore, #tpu.memory_space<semaphore_mem>>) src(%dma_wait3A_23 : memref<3200x16xf32, #tpu.memory_space<vmem_shared>>) dst(%dma_wait3A_21 : memref<3200x16xf32, #tpu.memory_space<hbm>>)
      tpu.yield
    }) : () -> ()
    return
  }
}

module attributes {stable_mosaic.version = 14 : i64} {
  func.func @_enc_edge_body(%arg0: i32, %arg1: memref<4096x128xf32, #tpu.memory_space<vmem>>, %arg2: memref<4096x128xf32, #tpu.memory_space<vmem>>, %arg3: memref<8x64xf32, #tpu.memory_space<vmem>>, %arg4: memref<1x64xf32, #tpu.memory_space<vmem>>, %arg5: memref<64x64xf32, #tpu.memory_space<vmem>>, %arg6: memref<1x64xf32, #tpu.memory_space<vmem>>, %arg7: memref<1x128xf32, #tpu.memory_space<vmem>>, %arg8: memref<4096x32xf32, #tpu.memory_space<vmem>>, %arg9: memref<4096x32xf32, #tpu.memory_space<vmem>>, %arg10: memref<4096x8xf32, #tpu.memory_space<vmem>>) attributes {dimension_semantics = [#tpu.dimension_semantics<arbitrary>], iteration_bounds = array<i64: 196>, scalar_prefetch = 0 : i64, scratch_operands = 0 : i64, tpu.core_type = #tpu.core_type<tc>, window_params = [{transform_indices = @transform_0, window_bounds = array<i64: 4096, 128>}, {transform_indices = @transform_1, window_bounds = array<i64: 4096, 128>}, {pipeline_mode = #tpu.pipeline_mode<synchronous>, transform_indices = @transform_2, window_bounds = array<i64: 8, 64>}, {pipeline_mode = #tpu.pipeline_mode<synchronous>, transform_indices = @transform_3, window_bounds = array<i64: 1, 64>}, {pipeline_mode = #tpu.pipeline_mode<synchronous>, transform_indices = @transform_4, window_bounds = array<i64: 64, 64>}, {pipeline_mode = #tpu.pipeline_mode<synchronous>, transform_indices = @transform_5, window_bounds = array<i64: 1, 64>}, {pipeline_mode = #tpu.pipeline_mode<synchronous>, transform_indices = @transform_6, window_bounds = array<i64: 1, 128>}, {transform_indices = @transform_7, window_bounds = array<i64: 4096, 32>}, {transform_indices = @transform_8, window_bounds = array<i64: 4096, 32>}, {transform_indices = @transform_9, window_bounds = array<i64: 4096, 8>}]} {
    %get3A = arith.constant 0 : index
    %get3A_0 = arith.constant 0 : index
    %get3A_1 = vector.load %arg7[%get3A, %get3A_0] : memref<1x128xf32, #tpu.memory_space<vmem>>, vector<1x3xf32>
    %get3A_2 = arith.constant 0 : index
    %get3A_3 = arith.constant 0 : index
    %get3A_4 = vector.load %arg1[%get3A_2, %get3A_3] : memref<4096x128xf32, #tpu.memory_space<vmem>>, vector<4096x3xf32>
    %get3A_5 = arith.constant 0 : index
    %get3A_6 = arith.constant 0 : index
    %get3A_7 = vector.load %arg2[%get3A_5, %get3A_6] : memref<4096x128xf32, #tpu.memory_space<vmem>>, vector<4096x3xf32>
    %sub3A = arith.subf %get3A_4, %get3A_7 : vector<4096x3xf32>
    %mul3A = arith.constant 5.000000e-01 : f32
    %mul3A_8 = vector.broadcast %mul3A : f32 to vector<1x3xf32>
    %mul3A_9 = arith.mulf %mul3A_8, %get3A_1 : vector<1x3xf32>
    %gt3A = vector.broadcast %mul3A_9 : vector<1x3xf32> to vector<4096x3xf32>
    %gt3A_10 = arith.cmpf ogt, %sub3A, %gt3A : vector<4096x3xf32>
    %sub3A_11 = vector.broadcast %get3A_1 : vector<1x3xf32> to vector<4096x3xf32>
    %sub3A_12 = arith.subf %sub3A, %sub3A_11 : vector<4096x3xf32>
    %select_n3A = arith.select %gt3A_10, %sub3A_12, %sub3A : vector<4096x3xi1>, vector<4096x3xf32>
    %mul3A_13 = arith.constant -5.000000e-01 : f32
    %mul3A_14 = vector.broadcast %mul3A_13 : f32 to vector<1x3xf32>
    %mul3A_15 = arith.mulf %mul3A_14, %get3A_1 : vector<1x3xf32>
    %lt3A = vector.broadcast %mul3A_15 : vector<1x3xf32> to vector<4096x3xf32>
    %lt3A_16 = arith.cmpf olt, %select_n3A, %lt3A : vector<4096x3xf32>
    %add3A = vector.broadcast %get3A_1 : vector<1x3xf32> to vector<4096x3xf32>
    %add3A_17 = arith.addf %select_n3A, %add3A : vector<4096x3xf32>
    %select_n3A_18 = arith.select %lt3A_16, %add3A_17, %select_n3A : vector<4096x3xi1>, vector<4096x3xf32>
    %mul3A_19 = arith.mulf %select_n3A_18, %select_n3A_18 : vector<4096x3xf32>
    %reduce_sum3A = arith.constant dense<0.000000e+00> : vector<4096xf32>
    %reduce_sum3A_20 = vector.multi_reduction <add>, %mul3A_19, %reduce_sum3A [1] : vector<4096x3xf32> to vector<4096xf32>
    %broadcast_in_dim3A = vector.shape_cast %reduce_sum3A_20 : vector<4096xf32> to vector<4096x1xf32>
    %get3A_21 = arith.constant 0 : index
    %get3A_22 = arith.constant 3 : index
    %get3A_23 = vector.load %arg1[%get3A_21, %get3A_22] : memref<4096x128xf32, #tpu.memory_space<vmem>>, vector<4096x1xf32>
    %get3A_24 = arith.constant 0 : index
    %get3A_25 = arith.constant 3 : index
    %get3A_26 = vector.load %arg2[%get3A_24, %get3A_25] : memref<4096x128xf32, #tpu.memory_space<vmem>>, vector<4096x1xf32>
    %get3A_27 = arith.constant 0 : index
    %get3A_28 = arith.constant 0 : index
    %get3A_29 = vector.load %arg3[%get3A_27, %get3A_28] : memref<8x64xf32, #tpu.memory_space<vmem>>, vector<1x64xf32>
    %mul3A_30 = vector.broadcast %get3A_23 : vector<4096x1xf32> to vector<4096x64xf32>
    %mul3A_31 = vector.broadcast %get3A_29 : vector<1x64xf32> to vector<4096x64xf32>
    %mul3A_32 = arith.mulf %mul3A_30, %mul3A_31 : vector<4096x64xf32>
    %get3A_33 = arith.constant 1 : index
    %get3A_34 = arith.constant 0 : index
    %get3A_35 = vector.load %arg3[%get3A_33, %get3A_34] : memref<8x64xf32, #tpu.memory_space<vmem>>, vector<1x64xf32>
    %mul3A_36 = vector.broadcast %get3A_26 : vector<4096x1xf32> to vector<4096x64xf32>
    %mul3A_37 = vector.broadcast %get3A_35 : vector<1x64xf32> to vector<4096x64xf32>
    %mul3A_38 = arith.mulf %mul3A_36, %mul3A_37 : vector<4096x64xf32>
    %add3A_39 = arith.addf %mul3A_32, %mul3A_38 : vector<4096x64xf32>
    %get3A_40 = arith.constant 2 : index
    %get3A_41 = arith.constant 0 : index
    %get3A_42 = vector.load %arg3[%get3A_40, %get3A_41] : memref<8x64xf32, #tpu.memory_space<vmem>>, vector<1x64xf32>
    %mul3A_43 = vector.broadcast %broadcast_in_dim3A : vector<4096x1xf32> to vector<4096x64xf32>
    %mul3A_44 = vector.broadcast %get3A_42 : vector<1x64xf32> to vector<4096x64xf32>
    %mul3A_45 = arith.mulf %mul3A_43, %mul3A_44 : vector<4096x64xf32>
    %add3A_46 = arith.addf %add3A_39, %mul3A_45 : vector<4096x64xf32>
    %get3A_47 = arith.constant 0 : index
    %get3A_48 = arith.constant 0 : index
    %get3A_49 = vector.load %arg4[%get3A_47, %get3A_48] : memref<1x64xf32, #tpu.memory_space<vmem>>, vector<1x64xf32>
    %add3A_50 = vector.broadcast %get3A_49 : vector<1x64xf32> to vector<4096x64xf32>
    %add3A_51 = arith.addf %add3A_46, %add3A_50 : vector<4096x64xf32>
    %logistic3A = arith.negf %add3A_51 : vector<4096x64xf32>
    %logistic3A_52 = math.exp %logistic3A : vector<4096x64xf32>
    %logistic3A_53 = arith.constant 1.000000e+00 : f32
    %logistic3A_54 = vector.broadcast %logistic3A_53 : f32 to vector<4096x64xf32>
    %logistic3A_55 = arith.addf %logistic3A_54, %logistic3A_52 : vector<4096x64xf32>
    %logistic3A_56 = arith.divf %logistic3A_54, %logistic3A_55 : vector<4096x64xf32>
    %mul3A_57 = arith.mulf %add3A_51, %logistic3A_56 : vector<4096x64xf32>
    %get3A_58 = arith.constant 0 : index
    %get3A_59 = arith.constant 0 : index
    %get3A_60 = vector.load %arg5[%get3A_58, %get3A_59] : memref<64x64xf32, #tpu.memory_space<vmem>>, vector<64x64xf32>
    %dot_general3A = arith.constant dense<0.000000e+00> : vector<4096x64xf32>
    %dot_general3A_61 = tpu.matmul %mul3A_57, %get3A_60, %dot_general3A {dimension_numbers = #tpu.dot_dimension_numbers<[1], [0], [0], [1], [0, 0, 1, 1], [], []>, transpose_lhs_hint = false} : vector<4096x64xf32>, vector<64x64xf32>, vector<4096x64xf32> -> vector<4096x64xf32>
    %get3A_62 = arith.constant 0 : index
    %get3A_63 = arith.constant 0 : index
    %get3A_64 = vector.load %arg6[%get3A_62, %get3A_63] : memref<1x64xf32, #tpu.memory_space<vmem>>, vector<1x64xf32>
    %add3A_65 = vector.broadcast %get3A_64 : vector<1x64xf32> to vector<4096x64xf32>
    %add3A_66 = arith.addf %dot_general3A_61, %add3A_65 : vector<4096x64xf32>
    %logistic3A_67 = arith.negf %add3A_66 : vector<4096x64xf32>
    %logistic3A_68 = math.exp %logistic3A_67 : vector<4096x64xf32>
    %logistic3A_69 = arith.constant 1.000000e+00 : f32
    %logistic3A_70 = vector.broadcast %logistic3A_69 : f32 to vector<4096x64xf32>
    %logistic3A_71 = arith.addf %logistic3A_70, %logistic3A_68 : vector<4096x64xf32>
    %logistic3A_72 = arith.divf %logistic3A_70, %logistic3A_71 : vector<4096x64xf32>
    %mul3A_73 = arith.mulf %add3A_66, %logistic3A_72 : vector<4096x64xf32>
    %mul3A_74 = arith.constant 4096 : i32
    %mul3A_75 = arith.muli %arg0, %mul3A_74 : i32
    %iota3A = tpu.iota {dimensions = array<i32: 0>} : vector<4096x1xi32>
    %add3A_76 = vector.broadcast %mul3A_75 : i32 to vector<4096x1xi32>
    %add3A_77 = arith.addi %add3A_76, %iota3A : vector<4096x1xi32>
    %lt3A_78 = arith.constant 800000 : i32
    %lt3A_79 = vector.broadcast %lt3A_78 : i32 to vector<4096x1xi32>
    %lt3A_80 = arith.cmpi slt, %add3A_77, %lt3A_79 : vector<4096x1xi32>
    %convert_element_type3A = arith.extui %lt3A_80 : vector<4096x1xi1> to vector<4096x1xi32>
    %convert_element_type3A_81 = arith.sitofp %convert_element_type3A : vector<4096x1xi32> to vector<4096x1xf32>
    %mul3A_82 = vector.broadcast %convert_element_type3A_81 : vector<4096x1xf32> to vector<4096x64xf32>
    %mul3A_83 = arith.mulf %mul3A_73, %mul3A_82 : vector<4096x64xf32>
    %slice3A = vector.extract_strided_slice %mul3A_83 {offsets = [0, 0], sizes = [4096, 32], strides = [1, 1]} : vector<4096x64xf32> to vector<4096x32xf32>
    %swap3A = arith.constant 0 : index
    %swap3A_84 = arith.constant 0 : index
    %swap3A_85 = vector.load %arg8[%swap3A, %swap3A_84] : memref<4096x32xf32, #tpu.memory_space<vmem>>, vector<4096x32xf32>
    tpu.vector_store %arg8[%swap3A, %swap3A_84], %slice3A {strides = array<i32>} : memref<4096x32xf32, #tpu.memory_space<vmem>>, vector<4096x32xf32>,
    %slice3A_86 = vector.extract_strided_slice %mul3A_83 {offsets = [0, 32], sizes = [4096, 32], strides = [1, 1]} : vector<4096x64xf32> to vector<4096x32xf32>
    %swap3A_87 = arith.constant 0 : index
    %swap3A_88 = arith.constant 0 : index
    %swap3A_89 = vector.load %arg9[%swap3A_87, %swap3A_88] : memref<4096x32xf32, #tpu.memory_space<vmem>>, vector<4096x32xf32>
    tpu.vector_store %arg9[%swap3A_87, %swap3A_88], %slice3A_86 {strides = array<i32>} : memref<4096x32xf32, #tpu.memory_space<vmem>>, vector<4096x32xf32>,
    %sqrt3A = math.sqrt %broadcast_in_dim3A : vector<4096x1xf32>
    %add3A_90 = arith.constant 1.000000e+00 : f32
    %add3A_91 = vector.broadcast %add3A_90 : f32 to vector<4096x1xf32>
    %add3A_92 = arith.addf %sqrt3A, %add3A_91 : vector<4096x1xf32>
    %div3A = vector.broadcast %add3A_92 : vector<4096x1xf32> to vector<4096x3xf32>
    %div3A_93 = arith.divf %select_n3A_18, %div3A : vector<4096x3xf32>
    %iota3A_94 = tpu.iota {dimensions = array<i32: 1>} : vector<4096x8xi32>
    %lt3A_95 = arith.constant 3 : i32
    %lt3A_96 = vector.broadcast %lt3A_95 : i32 to vector<4096x8xi32>
    %lt3A_97 = arith.cmpi slt, %iota3A_94, %lt3A_96 : vector<4096x8xi32>
    %jit3A = arith.constant 0 : i32
    %convert_element_type3A_98 = arith.sitofp %jit3A : i32 to f32
    %pad3A = vector.broadcast %convert_element_type3A_98 : f32 to vector<4096x5xf32>
    %pad3A_99 = tpu.concatenate %div3A_93, %pad3A in 1 : vector<4096x3xf32>, vector<4096x5xf32> -> vector<4096x8xf32>
    %jit3A_100 = arith.constant 0.000000e+00 : f32
    %broadcast_in_dim3A_101 = vector.broadcast %jit3A_100 : f32 to vector<4096x8xf32>
    %select_n3A_102 = arith.select %lt3A_97, %pad3A_99, %broadcast_in_dim3A_101 : vector<4096x8xi1>, vector<4096x8xf32>
    %eq3A = arith.constant 4 : i32
    %eq3A_103 = vector.broadcast %eq3A : i32 to vector<4096x8xi32>
    %eq3A_104 = arith.cmpi eq, %iota3A_94, %eq3A_103 : vector<4096x8xi32>
    %broadcast_in_dim3A_105 = vector.shape_cast %broadcast_in_dim3A : vector<4096x1xf32> to vector<4096x1xf32>
    %broadcast_in_dim3A_106 = vector.broadcast %broadcast_in_dim3A_105 : vector<4096x1xf32> to vector<4096x8xf32>
    %select_n3A_107 = arith.select %eq3A_104, %broadcast_in_dim3A_106, %select_n3A_102 : vector<4096x8xi1>, vector<4096x8xf32>
    %mul3A_108 = vector.broadcast %convert_element_type3A_81 : vector<4096x1xf32> to vector<4096x8xf32>
    %mul3A_109 = arith.mulf %select_n3A_107, %mul3A_108 : vector<4096x8xf32>
    %swap3A_110 = arith.constant 0 : index
    %swap3A_111 = arith.constant 0 : index
    %swap3A_112 = vector.load %arg10[%swap3A_110, %swap3A_111] : memref<4096x8xf32, #tpu.memory_space<vmem>>, vector<4096x8xf32>
    tpu.vector_store %arg10[%swap3A_110, %swap3A_111], %mul3A_109 {strides = array<i32>} : memref<4096x8xf32, #tpu.memory_space<vmem>>, vector<4096x8xf32>,
    return
  }
  func.func @transform_0(%arg0: i32) -> (i32, i32) {
    %c0_i32 = arith.constant 0 : i32
    %c0_i32_0 = arith.constant 0 : i32
    return %arg0, %c0_i32 : i32, i32
  }
  func.func @transform_1(%arg0: i32) -> (i32, i32) {
    %c0_i32 = arith.constant 0 : i32
    %c0_i32_0 = arith.constant 0 : i32
    return %arg0, %c0_i32 : i32, i32
  }
  func.func @transform_2(%arg0: i32) -> (i32, i32) {
    %c0_i32 = arith.constant 0 : i32
    %c0_i32_0 = arith.constant 0 : i32
    %c0_i32_1 = arith.constant 0 : i32
    return %c0_i32, %c0_i32_0 : i32, i32
  }
  func.func @transform_3(%arg0: i32) -> (i32, i32) {
    %c0_i32 = arith.constant 0 : i32
    %c0_i32_0 = arith.constant 0 : i32
    %c0_i32_1 = arith.constant 0 : i32
    return %c0_i32, %c0_i32_0 : i32, i32
  }
  func.func @transform_4(%arg0: i32) -> (i32, i32) {
    %c0_i32 = arith.constant 0 : i32
    %c0_i32_0 = arith.constant 0 : i32
    %c0_i32_1 = arith.constant 0 : i32
    return %c0_i32, %c0_i32_0 : i32, i32
  }
  func.func @transform_5(%arg0: i32) -> (i32, i32) {
    %c0_i32 = arith.constant 0 : i32
    %c0_i32_0 = arith.constant 0 : i32
    %c0_i32_1 = arith.constant 0 : i32
    return %c0_i32, %c0_i32_0 : i32, i32
  }
  func.func @transform_6(%arg0: i32) -> (i32, i32) {
    %c0_i32 = arith.constant 0 : i32
    %c0_i32_0 = arith.constant 0 : i32
    %c0_i32_1 = arith.constant 0 : i32
    return %c0_i32, %c0_i32_0 : i32, i32
  }
  func.func @transform_7(%arg0: i32) -> (i32, i32) {
    %c0_i32 = arith.constant 0 : i32
    %c0_i32_0 = arith.constant 0 : i32
    return %arg0, %c0_i32 : i32, i32
  }
  func.func @transform_8(%arg0: i32) -> (i32, i32) {
    %c0_i32 = arith.constant 0 : i32
    %c0_i32_0 = arith.constant 0 : i32
    return %arg0, %c0_i32 : i32, i32
  }
  func.func @transform_9(%arg0: i32) -> (i32, i32) {
    %c0_i32 = arith.constant 0 : i32
    %c0_i32_0 = arith.constant 0 : i32
    return %arg0, %c0_i32 : i32, i32
  }
}

module attributes {stable_mosaic.version = 14 : i64} {
  func.func @_node1_body(%arg0: i32, %arg1: memref<6400x1xf32, #tpu.memory_space<vmem>>, %arg2: memref<1x6400x32xf32, #tpu.memory_space<vmem>>, %arg3: memref<1x6400x32xf32, #tpu.memory_space<vmem>>, %arg4: memref<6400x1xi32, #tpu.memory_space<vmem>>, %arg5: memref<1x64xf32, #tpu.memory_space<vmem>>, %arg6: memref<32x64xf32, #tpu.memory_space<vmem>>, %arg7: memref<32x64xf32, #tpu.memory_space<vmem>>, %arg8: memref<1x64xf32, #tpu.memory_space<vmem>>, %arg9: memref<64x64xf32, #tpu.memory_space<vmem>>, %arg10: memref<1x64xf32, #tpu.memory_space<vmem>>, %arg11: memref<16x128xf32, #tpu.memory_space<vmem>>) attributes {dimension_semantics = [#tpu.dimension_semantics<arbitrary>], iteration_bounds = array<i64: 8>, scalar_prefetch = 0 : i64, scratch_operands = 0 : i64, tpu.core_type = #tpu.core_type<tc>, window_params = [{transform_indices = @transform_0, window_bounds = array<i64: 6400, 1>}, {transform_indices = @transform_1, window_bounds = array<i64: 1, 6400, 32>}, {transform_indices = @transform_2, window_bounds = array<i64: 1, 6400, 32>}, {transform_indices = @transform_3, window_bounds = array<i64: 6400, 1>}, {pipeline_mode = #tpu.pipeline_mode<synchronous>, transform_indices = @transform_4, window_bounds = array<i64: 1, 64>}, {pipeline_mode = #tpu.pipeline_mode<synchronous>, transform_indices = @transform_5, window_bounds = array<i64: 32, 64>}, {pipeline_mode = #tpu.pipeline_mode<synchronous>, transform_indices = @transform_6, window_bounds = array<i64: 32, 64>}, {pipeline_mode = #tpu.pipeline_mode<synchronous>, transform_indices = @transform_7, window_bounds = array<i64: 1, 64>}, {pipeline_mode = #tpu.pipeline_mode<synchronous>, transform_indices = @transform_8, window_bounds = array<i64: 64, 64>}, {pipeline_mode = #tpu.pipeline_mode<synchronous>, transform_indices = @transform_9, window_bounds = array<i64: 1, 64>}, {pipeline_mode = #tpu.pipeline_mode<synchronous>, transform_indices = @transform_10, window_bounds = array<i64: 16, 128>}]} {
    %get3A = arith.constant 0 : index
    %get3A_0 = arith.constant 0 : index
    %get3A_1 = vector.load %arg1[%get3A, %get3A_0] : memref<6400x1xf32, #tpu.memory_space<vmem>>, vector<6400x1xf32>
    %get3A_2 = arith.constant 0 : index
    %get3A_3 = arith.constant 0 : index
    %get3A_4 = vector.load %arg5[%get3A_2, %get3A_3] : memref<1x64xf32, #tpu.memory_space<vmem>>, vector<1x64xf32>
    %mul3A = vector.broadcast %get3A_1 : vector<6400x1xf32> to vector<6400x64xf32>
    %mul3A_5 = vector.broadcast %get3A_4 : vector<1x64xf32> to vector<6400x64xf32>
    %mul3A_6 = arith.mulf %mul3A, %mul3A_5 : vector<6400x64xf32>
    %get3A_7 = arith.constant 0 : index
    %get3A_8 = arith.constant 0 : index
    %get3A_9 = arith.constant 0 : index
    %get3A_10 = vector.load %arg2[%get3A_7, %get3A_8, %get3A_9] : memref<1x6400x32xf32, #tpu.memory_space<vmem>>, vector<1x6400x32xf32>
    %get3A_11 = vector.shape_cast %get3A_10 : vector<1x6400x32xf32> to vector<6400x32xf32>
    %get3A_12 = arith.constant 0 : index
    %get3A_13 = arith.constant 0 : index
    %get3A_14 = vector.load %arg6[%get3A_12, %get3A_13] : memref<32x64xf32, #tpu.memory_space<vmem>>, vector<32x64xf32>
    %dot_general3A = arith.constant dense<0.000000e+00> : vector<6400x64xf32>
    %dot_general3A_15 = tpu.matmul %get3A_11, %get3A_14, %dot_general3A {dimension_numbers = #tpu.dot_dimension_numbers<[1], [0], [0], [1], [0, 0, 1, 1], [], []>, transpose_lhs_hint = false} : vector<6400x32xf32>, vector<32x64xf32>, vector<6400x64xf32> -> vector<6400x64xf32>
    %add3A = arith.addf %mul3A_6, %dot_general3A_15 : vector<6400x64xf32>
    %get3A_16 = arith.constant 0 : index
    %get3A_17 = arith.constant 0 : index
    %get3A_18 = arith.constant 0 : index
    %get3A_19 = vector.load %arg3[%get3A_16, %get3A_17, %get3A_18] : memref<1x6400x32xf32, #tpu.memory_space<vmem>>, vector<1x6400x32xf32>
    %get3A_20 = vector.shape_cast %get3A_19 : vector<1x6400x32xf32> to vector<6400x32xf32>
    %get3A_21 = arith.constant 0 : index
    %get3A_22 = arith.constant 0 : index
    %get3A_23 = vector.load %arg7[%get3A_21, %get3A_22] : memref<32x64xf32, #tpu.memory_space<vmem>>, vector<32x64xf32>
    %dot_general3A_24 = arith.constant dense<0.000000e+00> : vector<6400x64xf32>
    %dot_general3A_25 = tpu.matmul %get3A_20, %get3A_23, %dot_general3A_24 {dimension_numbers = #tpu.dot_dimension_numbers<[1], [0], [0], [1], [0, 0, 1, 1], [], []>, transpose_lhs_hint = false} : vector<6400x32xf32>, vector<32x64xf32>, vector<6400x64xf32> -> vector<6400x64xf32>
    %add3A_26 = arith.addf %add3A, %dot_general3A_25 : vector<6400x64xf32>
    %get3A_27 = arith.constant 0 : index
    %get3A_28 = arith.constant 0 : index
    %get3A_29 = vector.load %arg8[%get3A_27, %get3A_28] : memref<1x64xf32, #tpu.memory_space<vmem>>, vector<1x64xf32>
    %add3A_30 = vector.broadcast %get3A_29 : vector<1x64xf32> to vector<6400x64xf32>
    %add3A_31 = arith.addf %add3A_26, %add3A_30 : vector<6400x64xf32>
    %logistic3A = arith.negf %add3A_31 : vector<6400x64xf32>
    %logistic3A_32 = math.exp %logistic3A : vector<6400x64xf32>
    %logistic3A_33 = arith.constant 1.000000e+00 : f32
    %logistic3A_34 = vector.broadcast %logistic3A_33 : f32 to vector<6400x64xf32>
    %logistic3A_35 = arith.addf %logistic3A_34, %logistic3A_32 : vector<6400x64xf32>
    %logistic3A_36 = arith.divf %logistic3A_34, %logistic3A_35 : vector<6400x64xf32>
    %mul3A_37 = arith.mulf %add3A_31, %logistic3A_36 : vector<6400x64xf32>
    %get3A_38 = arith.constant 0 : index
    %get3A_39 = arith.constant 0 : index
    %get3A_40 = vector.load %arg9[%get3A_38, %get3A_39] : memref<64x64xf32, #tpu.memory_space<vmem>>, vector<64x64xf32>
    %dot_general3A_41 = arith.constant dense<0.000000e+00> : vector<6400x64xf32>
    %dot_general3A_42 = tpu.matmul %mul3A_37, %get3A_40, %dot_general3A_41 {dimension_numbers = #tpu.dot_dimension_numbers<[1], [0], [0], [1], [0, 0, 1, 1], [], []>, transpose_lhs_hint = false} : vector<6400x64xf32>, vector<64x64xf32>, vector<6400x64xf32> -> vector<6400x64xf32>
    %get3A_43 = arith.constant 0 : index
    %get3A_44 = arith.constant 0 : index
    %get3A_45 = vector.load %arg10[%get3A_43, %get3A_44] : memref<1x64xf32, #tpu.memory_space<vmem>>, vector<1x64xf32>
    %add3A_46 = vector.broadcast %get3A_45 : vector<1x64xf32> to vector<6400x64xf32>
    %add3A_47 = arith.addf %dot_general3A_42, %add3A_46 : vector<6400x64xf32>
    %mul3A_48 = arith.constant 6400 : i32
    %mul3A_49 = arith.muli %arg0, %mul3A_48 : i32
    %iota3A = tpu.iota {dimensions = array<i32: 0>} : vector<6400x1xi32>
    %add3A_50 = vector.broadcast %mul3A_49 : i32 to vector<6400x1xi32>
    %add3A_51 = arith.addi %add3A_50, %iota3A : vector<6400x1xi32>
    %lt3A = arith.constant 50000 : i32
    %lt3A_52 = vector.broadcast %lt3A : i32 to vector<6400x1xi32>
    %lt3A_53 = arith.cmpi slt, %add3A_51, %lt3A_52 : vector<6400x1xi32>
    %convert_element_type3A = arith.extui %lt3A_53 : vector<6400x1xi1> to vector<6400x1xi32>
    %convert_element_type3A_54 = arith.sitofp %convert_element_type3A : vector<6400x1xi32> to vector<6400x1xf32>
    %concatenate3A = tpu.concatenate %add3A_47, %convert_element_type3A_54 in 1 : vector<6400x64xf32>, vector<6400x1xf32> -> vector<6400x65xf32>
    %jit3A = arith.constant 0 : i32
    %convert_element_type3A_55 = arith.sitofp %jit3A : i32 to f32
    %pad3A = vector.broadcast %convert_element_type3A_55 : f32 to vector<6400x63xf32>
    %pad3A_56 = tpu.concatenate %concatenate3A, %pad3A in 1 : vector<6400x65xf32>, vector<6400x63xf32> -> vector<6400x128xf32>
    %iota3A_57 = tpu.iota {dimensions = array<i32: 1>} : vector<6400x16xi32>
    %get3A_58 = arith.constant 0 : index
    %get3A_59 = arith.constant 0 : index
    %get3A_60 = vector.load %arg4[%get3A_58, %get3A_59] : memref<6400x1xi32, #tpu.memory_space<vmem>>, vector<6400x1xi32>
    %eq3A = vector.broadcast %get3A_60 : vector<6400x1xi32> to vector<6400x16xi32>
    %eq3A_61 = arith.cmpi eq, %eq3A, %iota3A_57 : vector<6400x16xi32>
    %convert_element_type3A_62 = arith.extui %eq3A_61 : vector<6400x16xi1> to vector<6400x16xi32>
    %convert_element_type3A_63 = arith.sitofp %convert_element_type3A_62 : vector<6400x16xi32> to vector<6400x16xf32>
    %mul3A_64 = vector.broadcast %convert_element_type3A_54 : vector<6400x1xf32> to vector<6400x16xf32>
    %mul3A_65 = arith.mulf %convert_element_type3A_63, %mul3A_64 : vector<6400x16xf32>
    %dot_general3A_66 = arith.constant dense<0.000000e+00> : vector<16x128xf32>
    %dot_general3A_67 = tpu.matmul %mul3A_65, %pad3A_56, %dot_general3A_66 {dimension_numbers = #tpu.dot_dimension_numbers<[0], [0], [1], [1], [0, 1, 1, 1], [], []>, precision = #tpu.contract_precision<fp32>, transpose_lhs_hint = false} : vector<6400x16xf32>, vector<6400x128xf32>, vector<16x128xf32> -> vector<16x128xf32>
    %eq3A_68 = arith.constant 0 : i32
    %eq3A_69 = arith.cmpi eq, %arg0, %eq3A_68 : i32
    %convert_element_type3A_70 = arith.extui %eq3A_69 : i1 to i32
    %cond3A = arith.constant 0 : i32
    %cond3A_71 = arith.cmpi ne, %convert_element_type3A_70, %cond3A : i32
    scf.if %cond3A_71 {
      %broadcast_in_dim3A = arith.constant 0.000000e+00 : f32
      %broadcast_in_dim3A_78 = vector.broadcast %broadcast_in_dim3A : f32 to vector<16x128xf32>
      %swap3A_79 = arith.constant 0 : index
      %swap3A_80 = arith.constant 0 : index
      %swap3A_81 = vector.load %arg11[%swap3A_79, %swap3A_80] : memref<16x128xf32, #tpu.memory_space<vmem>>, vector<16x128xf32>
      tpu.vector_store %arg11[%swap3A_79, %swap3A_80], %broadcast_in_dim3A_78 {strides = array<i32>} : memref<16x128xf32, #tpu.memory_space<vmem>>, vector<16x128xf32>,
    } else {
    }
    %get3A_72 = arith.constant 0 : index
    %get3A_73 = arith.constant 0 : index
    %get3A_74 = vector.load %arg11[%get3A_72, %get3A_73] : memref<16x128xf32, #tpu.memory_space<vmem>>, vector<16x128xf32>
    %add3A_75 = arith.addf %get3A_74, %dot_general3A_67 : vector<16x128xf32>
    %swap3A = arith.constant 0 : index
    %swap3A_76 = arith.constant 0 : index
    %swap3A_77 = vector.load %arg11[%swap3A, %swap3A_76] : memref<16x128xf32, #tpu.memory_space<vmem>>, vector<16x128xf32>
    tpu.vector_store %arg11[%swap3A, %swap3A_76], %add3A_75 {strides = array<i32>} : memref<16x128xf32, #tpu.memory_space<vmem>>, vector<16x128xf32>,
    return
  }
  func.func @transform_0(%arg0: i32) -> (i32, i32) {
    %c0_i32 = arith.constant 0 : i32
    %c0_i32_0 = arith.constant 0 : i32
    return %arg0, %c0_i32 : i32, i32
  }
  func.func @transform_1(%arg0: i32) -> (i32, i32, i32) {
    %c0_i32 = arith.constant 0 : i32
    %c0_i32_0 = arith.constant 0 : i32
    %c0_i32_1 = arith.constant 0 : i32
    return %c0_i32, %arg0, %c0_i32_0 : i32, i32, i32
  }
  func.func @transform_2(%arg0: i32) -> (i32, i32, i32) {
    %c1_i32 = arith.constant 1 : i32
    %c0_i32 = arith.constant 0 : i32
    %c0_i32_0 = arith.constant 0 : i32
    return %c1_i32, %arg0, %c0_i32 : i32, i32, i32
  }
  func.func @transform_3(%arg0: i32) -> (i32, i32) {
    %c0_i32 = arith.constant 0 : i32
    %c0_i32_0 = arith.constant 0 : i32
    return %arg0, %c0_i32 : i32, i32
  }
  func.func @transform_4(%arg0: i32) -> (i32, i32) {
    %c0_i32 = arith.constant 0 : i32
    %c0_i32_0 = arith.constant 0 : i32
    %c0_i32_1 = arith.constant 0 : i32
    return %c0_i32, %c0_i32_0 : i32, i32
  }
  func.func @transform_5(%arg0: i32) -> (i32, i32) {
    %c0_i32 = arith.constant 0 : i32
    %c0_i32_0 = arith.constant 0 : i32
    %c0_i32_1 = arith.constant 0 : i32
    return %c0_i32, %c0_i32_0 : i32, i32
  }
  func.func @transform_6(%arg0: i32) -> (i32, i32) {
    %c0_i32 = arith.constant 0 : i32
    %c0_i32_0 = arith.constant 0 : i32
    %c0_i32_1 = arith.constant 0 : i32
    return %c0_i32, %c0_i32_0 : i32, i32
  }
  func.func @transform_7(%arg0: i32) -> (i32, i32) {
    %c0_i32 = arith.constant 0 : i32
    %c0_i32_0 = arith.constant 0 : i32
    %c0_i32_1 = arith.constant 0 : i32
    return %c0_i32, %c0_i32_0 : i32, i32
  }
  func.func @transform_8(%arg0: i32) -> (i32, i32) {
    %c0_i32 = arith.constant 0 : i32
    %c0_i32_0 = arith.constant 0 : i32
    %c0_i32_1 = arith.constant 0 : i32
    return %c0_i32, %c0_i32_0 : i32, i32
  }
  func.func @transform_9(%arg0: i32) -> (i32, i32) {
    %c0_i32 = arith.constant 0 : i32
    %c0_i32_0 = arith.constant 0 : i32
    %c0_i32_1 = arith.constant 0 : i32
    return %c0_i32, %c0_i32_0 : i32, i32
  }
  func.func @transform_10(%arg0: i32) -> (i32, i32) {
    %c0_i32 = arith.constant 0 : i32
    %c0_i32_0 = arith.constant 0 : i32
    %c0_i32_1 = arith.constant 0 : i32
    return %c0_i32, %c0_i32_0 : i32, i32
  }
}

module attributes {stable_mosaic.version = 14 : i64} {
  func.func @_node2_body(%arg0: i32, %arg1: memref<6400x1xf32, #tpu.memory_space<vmem>>, %arg2: memref<6400x64xf32, #tpu.memory_space<vmem>>, %arg3: memref<1x64xf32, #tpu.memory_space<vmem>>, %arg4: memref<64x128xf32, #tpu.memory_space<vmem>>, %arg5: memref<6400x128xf32, #tpu.memory_space<vmem>>) attributes {dimension_semantics = [#tpu.dimension_semantics<arbitrary>], iteration_bounds = array<i64: 8>, scalar_prefetch = 0 : i64, scratch_operands = 0 : i64, tpu.core_type = #tpu.core_type<tc>, window_params = [{transform_indices = @transform_0, window_bounds = array<i64: 6400, 1>}, {transform_indices = @transform_1, window_bounds = array<i64: 6400, 64>}, {pipeline_mode = #tpu.pipeline_mode<synchronous>, transform_indices = @transform_2, window_bounds = array<i64: 1, 64>}, {pipeline_mode = #tpu.pipeline_mode<synchronous>, transform_indices = @transform_3, window_bounds = array<i64: 64, 128>}, {transform_indices = @transform_4, window_bounds = array<i64: 6400, 128>}]} {
    %get3A = arith.constant 0 : index
    %get3A_0 = arith.constant 0 : index
    %get3A_1 = vector.load %arg1[%get3A, %get3A_0] : memref<6400x1xf32, #tpu.memory_space<vmem>>, vector<6400x1xf32>
    %get3A_2 = arith.constant 0 : index
    %get3A_3 = arith.constant 0 : index
    %get3A_4 = vector.load %arg3[%get3A_2, %get3A_3] : memref<1x64xf32, #tpu.memory_space<vmem>>, vector<1x64xf32>
    %mul3A = vector.broadcast %get3A_1 : vector<6400x1xf32> to vector<6400x64xf32>
    %mul3A_5 = vector.broadcast %get3A_4 : vector<1x64xf32> to vector<6400x64xf32>
    %mul3A_6 = arith.mulf %mul3A, %mul3A_5 : vector<6400x64xf32>
    %get3A_7 = arith.constant 0 : index
    %get3A_8 = arith.constant 0 : index
    %get3A_9 = vector.load %arg2[%get3A_7, %get3A_8] : memref<6400x64xf32, #tpu.memory_space<vmem>>, vector<6400x64xf32>
    %add3A = arith.addf %mul3A_6, %get3A_9 : vector<6400x64xf32>
    %get3A_10 = arith.constant 0 : index
    %get3A_11 = arith.constant 0 : index
    %get3A_12 = vector.load %arg4[%get3A_10, %get3A_11] : memref<64x128xf32, #tpu.memory_space<vmem>>, vector<64x128xf32>
    %dot_general3A = arith.constant dense<0.000000e+00> : vector<6400x128xf32>
    %dot_general3A_13 = tpu.matmul %add3A, %get3A_12, %dot_general3A {dimension_numbers = #tpu.dot_dimension_numbers<[1], [0], [0], [1], [0, 0, 1, 1], [], []>, transpose_lhs_hint = false} : vector<6400x64xf32>, vector<64x128xf32>, vector<6400x128xf32> -> vector<6400x128xf32>
    %swap3A = arith.constant 0 : index
    %swap3A_14 = arith.constant 0 : index
    %swap3A_15 = vector.load %arg5[%swap3A, %swap3A_14] : memref<6400x128xf32, #tpu.memory_space<vmem>>, vector<6400x128xf32>
    tpu.vector_store %arg5[%swap3A, %swap3A_14], %dot_general3A_13 {strides = array<i32>} : memref<6400x128xf32, #tpu.memory_space<vmem>>, vector<6400x128xf32>,
    return
  }
  func.func @transform_0(%arg0: i32) -> (i32, i32) {
    %c0_i32 = arith.constant 0 : i32
    %c0_i32_0 = arith.constant 0 : i32
    return %arg0, %c0_i32 : i32, i32
  }
  func.func @transform_1(%arg0: i32) -> (i32, i32) {
    %c0_i32 = arith.constant 0 : i32
    %c0_i32_0 = arith.constant 0 : i32
    return %arg0, %c0_i32 : i32, i32
  }
  func.func @transform_2(%arg0: i32) -> (i32, i32) {
    %c0_i32 = arith.constant 0 : i32
    %c0_i32_0 = arith.constant 0 : i32
    %c0_i32_1 = arith.constant 0 : i32
    return %c0_i32, %c0_i32_0 : i32, i32
  }
  func.func @transform_3(%arg0: i32) -> (i32, i32) {
    %c0_i32 = arith.constant 0 : i32
    %c0_i32_0 = arith.constant 0 : i32
    %c0_i32_1 = arith.constant 0 : i32
    return %c0_i32, %c0_i32_0 : i32, i32
  }
  func.func @transform_4(%arg0: i32) -> (i32, i32) {
    %c0_i32 = arith.constant 0 : i32
    %c0_i32_0 = arith.constant 0 : i32
    return %arg0, %c0_i32 : i32, i32
  }
}

module attributes {stable_mosaic.version = 14 : i64} {
  func.func @_dec_edge_body(%arg0: i32, %arg1: memref<4096x128xf32, #tpu.memory_space<vmem>>, %arg2: memref<4096x128xf32, #tpu.memory_space<vmem>>, %arg3: memref<4096x8xf32, #tpu.memory_space<vmem>>, %arg4: memref<1x64xf32, #tpu.memory_space<vmem>>, %arg5: memref<1x64xf32, #tpu.memory_space<vmem>>, %arg6: memref<64x64xf32, #tpu.memory_space<vmem>>, %arg7: memref<1x64xf32, #tpu.memory_space<vmem>>, %arg8: memref<64x64xf32, #tpu.memory_space<vmem>>, %arg9: memref<1x64xf32, #tpu.memory_space<vmem>>, %arg10: memref<1x64xf32, #tpu.memory_space<vmem>>, %arg11: memref<1x1xf32, #tpu.memory_space<vmem>>, %arg12: memref<4096x16xf32, #tpu.memory_space<vmem>>) attributes {dimension_semantics = [#tpu.dimension_semantics<arbitrary>], iteration_bounds = array<i64: 196>, scalar_prefetch = 0 : i64, scratch_operands = 0 : i64, tpu.core_type = #tpu.core_type<tc>, window_params = [{transform_indices = @transform_0, window_bounds = array<i64: 4096, 128>}, {transform_indices = @transform_1, window_bounds = array<i64: 4096, 128>}, {transform_indices = @transform_2, window_bounds = array<i64: 4096, 8>}, {pipeline_mode = #tpu.pipeline_mode<synchronous>, transform_indices = @transform_3, window_bounds = array<i64: 1, 64>}, {pipeline_mode = #tpu.pipeline_mode<synchronous>, transform_indices = @transform_4, window_bounds = array<i64: 1, 64>}, {pipeline_mode = #tpu.pipeline_mode<synchronous>, transform_indices = @transform_5, window_bounds = array<i64: 64, 64>}, {pipeline_mode = #tpu.pipeline_mode<synchronous>, transform_indices = @transform_6, window_bounds = array<i64: 1, 64>}, {pipeline_mode = #tpu.pipeline_mode<synchronous>, transform_indices = @transform_7, window_bounds = array<i64: 64, 64>}, {pipeline_mode = #tpu.pipeline_mode<synchronous>, transform_indices = @transform_8, window_bounds = array<i64: 1, 64>}, {pipeline_mode = #tpu.pipeline_mode<synchronous>, transform_indices = @transform_9, window_bounds = array<i64: 1, 64>}, {pipeline_mode = #tpu.pipeline_mode<synchronous>, transform_indices = @transform_10, window_bounds = array<i64: 1, 1>}, {transform_indices = @transform_11, window_bounds = array<i64: 4096, 16>}]} {
    %get3A = arith.constant 0 : index
    %get3A_0 = arith.constant 4 : index
    %get3A_1 = vector.load %arg3[%get3A, %get3A_0] : memref<4096x8xf32, #tpu.memory_space<vmem>>, vector<4096x1xf32>
    %get3A_2 = arith.constant 0 : index
    %get3A_3 = arith.constant 0 : index
    %get3A_4 = vector.load %arg1[%get3A_2, %get3A_3] : memref<4096x128xf32, #tpu.memory_space<vmem>>, vector<4096x64xf32>
    %get3A_5 = arith.constant 0 : index
    %get3A_6 = arith.constant 64 : index
    %get3A_7 = vector.load %arg2[%get3A_5, %get3A_6] : memref<4096x128xf32, #tpu.memory_space<vmem>>, vector<4096x64xf32>
    %add3A = arith.addf %get3A_4, %get3A_7 : vector<4096x64xf32>
    %get3A_8 = arith.constant 0 : index
    %get3A_9 = arith.constant 0 : index
    %get3A_10 = vector.load %arg4[%get3A_8, %get3A_9] : memref<1x64xf32, #tpu.memory_space<vmem>>, vector<1x64xf32>
    %mul3A = vector.broadcast %get3A_1 : vector<4096x1xf32> to vector<4096x64xf32>
    %mul3A_11 = vector.broadcast %get3A_10 : vector<1x64xf32> to vector<4096x64xf32>
    %mul3A_12 = arith.mulf %mul3A, %mul3A_11 : vector<4096x64xf32>
    %add3A_13 = arith.addf %add3A, %mul3A_12 : vector<4096x64xf32>
    %get3A_14 = arith.constant 0 : index
    %get3A_15 = arith.constant 0 : index
    %get3A_16 = vector.load %arg5[%get3A_14, %get3A_15] : memref<1x64xf32, #tpu.memory_space<vmem>>, vector<1x64xf32>
    %add3A_17 = vector.broadcast %get3A_16 : vector<1x64xf32> to vector<4096x64xf32>
    %add3A_18 = arith.addf %add3A_13, %add3A_17 : vector<4096x64xf32>
    %logistic3A = arith.negf %add3A_18 : vector<4096x64xf32>
    %logistic3A_19 = math.exp %logistic3A : vector<4096x64xf32>
    %logistic3A_20 = arith.constant 1.000000e+00 : f32
    %logistic3A_21 = vector.broadcast %logistic3A_20 : f32 to vector<4096x64xf32>
    %logistic3A_22 = arith.addf %logistic3A_21, %logistic3A_19 : vector<4096x64xf32>
    %logistic3A_23 = arith.divf %logistic3A_21, %logistic3A_22 : vector<4096x64xf32>
    %mul3A_24 = arith.mulf %add3A_18, %logistic3A_23 : vector<4096x64xf32>
    %get3A_25 = arith.constant 0 : index
    %get3A_26 = arith.constant 0 : index
    %get3A_27 = vector.load %arg6[%get3A_25, %get3A_26] : memref<64x64xf32, #tpu.memory_space<vmem>>, vector<64x64xf32>
    %dot_general3A = arith.constant dense<0.000000e+00> : vector<4096x64xf32>
    %dot_general3A_28 = tpu.matmul %mul3A_24, %get3A_27, %dot_general3A {dimension_numbers = #tpu.dot_dimension_numbers<[1], [0], [0], [1], [0, 0, 1, 1], [], []>, transpose_lhs_hint = false} : vector<4096x64xf32>, vector<64x64xf32>, vector<4096x64xf32> -> vector<4096x64xf32>
    %get3A_29 = arith.constant 0 : index
    %get3A_30 = arith.constant 0 : index
    %get3A_31 = vector.load %arg7[%get3A_29, %get3A_30] : memref<1x64xf32, #tpu.memory_space<vmem>>, vector<1x64xf32>
    %add3A_32 = vector.broadcast %get3A_31 : vector<1x64xf32> to vector<4096x64xf32>
    %add3A_33 = arith.addf %dot_general3A_28, %add3A_32 : vector<4096x64xf32>
    %logistic3A_34 = arith.negf %add3A_33 : vector<4096x64xf32>
    %logistic3A_35 = math.exp %logistic3A_34 : vector<4096x64xf32>
    %logistic3A_36 = arith.constant 1.000000e+00 : f32
    %logistic3A_37 = vector.broadcast %logistic3A_36 : f32 to vector<4096x64xf32>
    %logistic3A_38 = arith.addf %logistic3A_37, %logistic3A_35 : vector<4096x64xf32>
    %logistic3A_39 = arith.divf %logistic3A_37, %logistic3A_38 : vector<4096x64xf32>
    %mul3A_40 = arith.mulf %add3A_33, %logistic3A_39 : vector<4096x64xf32>
    %get3A_41 = arith.constant 0 : index
    %get3A_42 = arith.constant 0 : index
    %get3A_43 = vector.load %arg8[%get3A_41, %get3A_42] : memref<64x64xf32, #tpu.memory_space<vmem>>, vector<64x64xf32>
    %dot_general3A_44 = arith.constant dense<0.000000e+00> : vector<4096x64xf32>
    %dot_general3A_45 = tpu.matmul %mul3A_40, %get3A_43, %dot_general3A_44 {dimension_numbers = #tpu.dot_dimension_numbers<[1], [0], [0], [1], [0, 0, 1, 1], [], []>, transpose_lhs_hint = false} : vector<4096x64xf32>, vector<64x64xf32>, vector<4096x64xf32> -> vector<4096x64xf32>
    %get3A_46 = arith.constant 0 : index
    %get3A_47 = arith.constant 0 : index
    %get3A_48 = vector.load %arg9[%get3A_46, %get3A_47] : memref<1x64xf32, #tpu.memory_space<vmem>>, vector<1x64xf32>
    %add3A_49 = vector.broadcast %get3A_48 : vector<1x64xf32> to vector<4096x64xf32>
    %add3A_50 = arith.addf %dot_general3A_45, %add3A_49 : vector<4096x64xf32>
    %logistic3A_51 = arith.negf %add3A_50 : vector<4096x64xf32>
    %logistic3A_52 = math.exp %logistic3A_51 : vector<4096x64xf32>
    %logistic3A_53 = arith.constant 1.000000e+00 : f32
    %logistic3A_54 = vector.broadcast %logistic3A_53 : f32 to vector<4096x64xf32>
    %logistic3A_55 = arith.addf %logistic3A_54, %logistic3A_52 : vector<4096x64xf32>
    %logistic3A_56 = arith.divf %logistic3A_54, %logistic3A_55 : vector<4096x64xf32>
    %mul3A_57 = arith.mulf %add3A_50, %logistic3A_56 : vector<4096x64xf32>
    %get3A_58 = arith.constant 0 : index
    %get3A_59 = arith.constant 0 : index
    %get3A_60 = vector.load %arg10[%get3A_58, %get3A_59] : memref<1x64xf32, #tpu.memory_space<vmem>>, vector<1x64xf32>
    %mul3A_61 = vector.broadcast %get3A_60 : vector<1x64xf32> to vector<4096x64xf32>
    %mul3A_62 = arith.mulf %mul3A_57, %mul3A_61 : vector<4096x64xf32>
    %reduce_sum3A = arith.constant dense<0.000000e+00> : vector<4096xf32>
    %reduce_sum3A_63 = vector.multi_reduction <add>, %mul3A_62, %reduce_sum3A [1] : vector<4096x64xf32> to vector<4096xf32>
    %broadcast_in_dim3A = vector.shape_cast %reduce_sum3A_63 : vector<4096xf32> to vector<4096x1xf32>
    %get3A_64 = arith.constant 0 : index
    %get3A_65 = arith.constant 0 : index
    %get3A_66 = vector.load %arg11[%get3A_64, %get3A_65] : memref<1x1xf32, #tpu.memory_space<vmem>>, vector<1x1xf32>
    %add3A_67 = vector.broadcast %get3A_66 : vector<1x1xf32> to vector<4096x1xf32>
    %add3A_68 = arith.addf %broadcast_in_dim3A, %add3A_67 : vector<4096x1xf32>
    %tanh3A = math.tanh %add3A_68 : vector<4096x1xf32>
    %iota3A = tpu.iota {dimensions = array<i32: 1>} : vector<4096x4xi32>
    %get3A_69 = arith.constant 0 : index
    %get3A_70 = arith.constant 0 : index
    %get3A_71 = vector.load %arg3[%get3A_69, %get3A_70] : memref<4096x8xf32, #tpu.memory_space<vmem>>, vector<4096x4xf32>
    %mul3A_72 = vector.broadcast %tanh3A : vector<4096x1xf32> to vector<4096x4xf32>
    %mul3A_73 = arith.mulf %get3A_71, %mul3A_72 : vector<4096x4xf32>
    %eq3A = arith.constant 3 : i32
    %eq3A_74 = vector.broadcast %eq3A : i32 to vector<4096x4xi32>
    %eq3A_75 = arith.cmpi eq, %iota3A, %eq3A_74 : vector<4096x4xi32>
    %jit3A = arith.constant 1.000000e+00 : f32
    %jit3A_76 = arith.constant 0.000000e+00 : f32
    %broadcast_in_dim3A_77 = vector.broadcast %jit3A : f32 to vector<4096x4xf32>
    %broadcast_in_dim3A_78 = vector.broadcast %jit3A_76 : f32 to vector<4096x4xf32>
    %select_n3A = arith.select %eq3A_75, %broadcast_in_dim3A_77, %broadcast_in_dim3A_78 : vector<4096x4xi1>, vector<4096x4xf32>
    %add3A_79 = arith.addf %mul3A_73, %select_n3A : vector<4096x4xf32>
    %mul3A_80 = arith.constant 4096 : i32
    %mul3A_81 = arith.muli %arg0, %mul3A_80 : i32
    %iota3A_82 = tpu.iota {dimensions = array<i32: 0>} : vector<4096x1xi32>
    %add3A_83 = vector.broadcast %mul3A_81 : i32 to vector<4096x1xi32>
    %add3A_84 = arith.addi %add3A_83, %iota3A_82 : vector<4096x1xi32>
    %lt3A = arith.constant 800000 : i32
    %lt3A_85 = vector.broadcast %lt3A : i32 to vector<4096x1xi32>
    %lt3A_86 = arith.cmpi slt, %add3A_84, %lt3A_85 : vector<4096x1xi32>
    %convert_element_type3A = arith.extui %lt3A_86 : vector<4096x1xi1> to vector<4096x1xi32>
    %convert_element_type3A_87 = arith.sitofp %convert_element_type3A : vector<4096x1xi32> to vector<4096x1xf32>
    %mul3A_88 = vector.broadcast %convert_element_type3A_87 : vector<4096x1xf32> to vector<4096x4xf32>
    %mul3A_89 = arith.mulf %add3A_79, %mul3A_88 : vector<4096x4xf32>
    %jit3A_90 = arith.constant 0 : i32
    %convert_element_type3A_91 = arith.sitofp %jit3A_90 : i32 to f32
    %pad3A = vector.broadcast %convert_element_type3A_91 : f32 to vector<4096x12xf32>
    %pad3A_92 = tpu.concatenate %mul3A_89, %pad3A in 1 : vector<4096x4xf32>, vector<4096x12xf32> -> vector<4096x16xf32>
    %swap3A = arith.constant 0 : index
    %swap3A_93 = arith.constant 0 : index
    %swap3A_94 = vector.load %arg12[%swap3A, %swap3A_93] : memref<4096x16xf32, #tpu.memory_space<vmem>>, vector<4096x16xf32>
    tpu.vector_store %arg12[%swap3A, %swap3A_93], %pad3A_92 {strides = array<i32>} : memref<4096x16xf32, #tpu.memory_space<vmem>>, vector<4096x16xf32>,
    return
  }
  func.func @transform_0(%arg0: i32) -> (i32, i32) {
    %c0_i32 = arith.constant 0 : i32
    %c0_i32_0 = arith.constant 0 : i32
    return %arg0, %c0_i32 : i32, i32
  }
  func.func @transform_1(%arg0: i32) -> (i32, i32) {
    %c0_i32 = arith.constant 0 : i32
    %c0_i32_0 = arith.constant 0 : i32
    return %arg0, %c0_i32 : i32, i32
  }
  func.func @transform_2(%arg0: i32) -> (i32, i32) {
    %c0_i32 = arith.constant 0 : i32
    %c0_i32_0 = arith.constant 0 : i32
    return %arg0, %c0_i32 : i32, i32
  }
  func.func @transform_3(%arg0: i32) -> (i32, i32) {
    %c0_i32 = arith.constant 0 : i32
    %c0_i32_0 = arith.constant 0 : i32
    %c0_i32_1 = arith.constant 0 : i32
    return %c0_i32, %c0_i32_0 : i32, i32
  }
  func.func @transform_4(%arg0: i32) -> (i32, i32) {
    %c0_i32 = arith.constant 0 : i32
    %c0_i32_0 = arith.constant 0 : i32
    %c0_i32_1 = arith.constant 0 : i32
    return %c0_i32, %c0_i32_0 : i32, i32
  }
  func.func @transform_5(%arg0: i32) -> (i32, i32) {
    %c0_i32 = arith.constant 0 : i32
    %c0_i32_0 = arith.constant 0 : i32
    %c0_i32_1 = arith.constant 0 : i32
    return %c0_i32, %c0_i32_0 : i32, i32
  }
  func.func @transform_6(%arg0: i32) -> (i32, i32) {
    %c0_i32 = arith.constant 0 : i32
    %c0_i32_0 = arith.constant 0 : i32
    %c0_i32_1 = arith.constant 0 : i32
    return %c0_i32, %c0_i32_0 : i32, i32
  }
  func.func @transform_7(%arg0: i32) -> (i32, i32) {
    %c0_i32 = arith.constant 0 : i32
    %c0_i32_0 = arith.constant 0 : i32
    %c0_i32_1 = arith.constant 0 : i32
    return %c0_i32, %c0_i32_0 : i32, i32
  }
  func.func @transform_8(%arg0: i32) -> (i32, i32) {
    %c0_i32 = arith.constant 0 : i32
    %c0_i32_0 = arith.constant 0 : i32
    %c0_i32_1 = arith.constant 0 : i32
    return %c0_i32, %c0_i32_0 : i32, i32
  }
  func.func @transform_9(%arg0: i32) -> (i32, i32) {
    %c0_i32 = arith.constant 0 : i32
    %c0_i32_0 = arith.constant 0 : i32
    %c0_i32_1 = arith.constant 0 : i32
    return %c0_i32, %c0_i32_0 : i32, i32
  }
  func.func @transform_10(%arg0: i32) -> (i32, i32) {
    %c0_i32 = arith.constant 0 : i32
    %c0_i32_0 = arith.constant 0 : i32
    %c0_i32_1 = arith.constant 0 : i32
    return %c0_i32, %c0_i32_0 : i32, i32
  }
  func.func @transform_11(%arg0: i32) -> (i32, i32) {
    %c0_i32 = arith.constant 0 : i32
    %c0_i32_0 = arith.constant 0 : i32
    return %arg0, %c0_i32 : i32, i32
  }
}

</mosaic_0001>

<sc_bundles>
// kernel: kernel.10.cloned.1.call-start
scs
__scs_entry_jumppad:
0x0: {  	(pc) =	sbr.rel $0x88, $3  }
0x1: {  	(tag) =	ssettag $0x0;
	lr =	simm.s32 $0x1  }
0x2: {  	[smem:$0x3F86] =	sst lr;
	_ =	strace $0xD0000000  }
0x3: {  	_ = 	snop  }
0x4: {  	_ = 	snop  }
0x5: {  	_ = 	snop  }
0x6: {  	_ = 	snop  }
0x7: {  	_ = 	snop  }
__scs_overlays_trampoline_lowered:
0x8: {  	[smem:$0x3F95] =	sst s0  }
0x9: {  	[smem:$0x3F96] =	sst s1  }
0xa: {  	[smem:$0x3F97] =	sst s2  }
0xb: {  	[smem:$0x3F98] =	sst s3  }
0xc: {  	[smem:$0x3F99] =	sst s4  }
0xd: {  	[smem:$0x3F9A] =	sst s5  }
0xe: {  	[smem:$0x3F9B] =	sst s6  }
0xf: {  	[smem:$0x3F9C] =	sst s7  }
0x10: {  	[smem:$0x3F9D] =	sst s8  }
0x11: {  	[smem:$0x3F9E] =	sst s9;
	s0 =	simm.s32 @!p0 $0x0  }
0x12: {  	s1 =	sld [smem:$0x3F84];
	s0 =	simm.s32 @p0 $0x1  }
0x13: {  	[smem:$0x3F9F] =	sst s0;
	s0 =	simm.s32 @!p1 $0x0  }
0x14: {  	s2 =	sld [smem:$0x3F83];
	s0 =	simm.s32 @p1 $0x1  }
0x15: {  	[smem:$0x3FA0] =	sst s0;
	s0 =	simm.s32 @!p2 $0x0  }
0x16: {  	s3 =	sld [smem:$0x3FDB];
	s0 =	simm.s32 @p2 $0x1  }
0x17: {  	s4 =	simm.s32 $0x1BF5;
	[smem:$0x3FA2] =	sst s0  }
0x18: {  	s0 =	sld [smem:$0x3F85];
	_ =	swait.ge [sflag:s4], $0x0  }
0x19: {  	s7 =	sld [smem:$0x3F86]  }
0x1a: {  	s8 =	sadd.s32 $0xFFFFE003, lr  }
0x1b: {  	s9 =	sadd.s32 $0xFFFFFEF7, lr;
	s5 =	simm.s32 $0xFFFFFFFF;
	p2 =	slt.u32 s8, $0xFFFFF086  }
0x1c: {  	p1 =	slt.u32 s9, $0xF7A;
	s5 =	simm.s32 @!p2 $0x0  }
0x1d: {  	s5 =	simm.s32 @p1 $0x1;
	p0 =	seq.s32 s7, s2  }
0x1e: {  	s7 =	smul.u32 @!p0 $0xF7A, s2;
	p2 =	seq.s32 @!p0 s5, $0x0  }
0x1f: {  	s9 =	smul.u32 $0xF7A, s1;
	s8 =	simm.s32 @!p0 $0x1BF5;
	p2 =	por !p2, p0  }
0x20: {  	[sflag:s8] =	ssyncset.s32 @!p0 $0xFFFFF086;
	s6 =	sadd.s32 @!p0 s3, s7;
	s7 =	simm.s32 @!p0 $0x108  }
0x21: {  	s3 =	sadd.s32 s3, s9;
	s6 =	sadd.s32 @!p0 $0x88, s6;
	s7 =	simm.s32 @p2 $0x1082  }
0x22: {  	[simem:s7], [sflag:s8] =	dma.local @!p0 [hbm:s6], $0xF7A  }
0x23: {  	s9 =	sor.u32 $0xD0000000, s2;
	s6 =	simm.s32 $0x108;
	_ =	swait.ge @!p0 [sflag:s8], $0x0  }
0x24: {  	s3 =	sadd.s32 $0x88, s3;
	s6 =	simm.s32 @!p1 $0x1082;
	[sflag:s4] =	ssyncset.s32 $0xFFFFF086  }
0x25: {  	[simem:s6], [sflag:s4] =	dma.local [hbm:s3], $0xF7A  }
0x26: {  	[smem:$0x3F86] =	sst s1;
	(tag) =	ssettag s2;
	_ =	strace s9  }
0x27: {  	s1 =	sld [smem:$0x3F96]  }
0x28: {  	s2 =	sld [smem:$0x3F97]  }
0x29: {  	s4 =	sld [smem:$0x3F99]  }
0x2a: {  	p0 =	seq.s32 s5, $0x0;
	s5 =	sld [smem:$0x3F9A]  }
0x2b: {  	s6 =	sld [smem:$0x3F9B]  }
0x2c: {  	s7 =	sld [smem:$0x3F9C]  }
0x2d: {  	s3 =	simm.s32 $0x108;
	s8 =	sld [smem:$0x3F9D]  }
0x2e: {  	s3 =	simm.s32 @!p0 $0x1082;
	s9 =	sld [smem:$0x3F9E]  }
0x2f: {  	lr =	sadd.s32 s0, s3;
	s0 =	sld [smem:$0x3F95]  }
0x30: {  	s3 =	sld [smem:$0x3F98]  }
0x31: {  	[smem:$0x3FA1] =	sst s10  }
0x32: {  	s10 =	sld [smem:$0x3F9F];
	_ =	sdelay $0x3  }
0x33: {  	p0 =	seq.s32 s10, $0x1;
	s10 =	sld [smem:$0x3FA1];
	_ =	sdelay $0x3  }
0x34: {  	[smem:$0x3FA1] =	sst s10  }
0x35: {  	s10 =	sld [smem:$0x3FA0];
	_ =	sdelay $0x3  }
0x36: {  	p1 =	seq.s32 s10, $0x1;
	s10 =	sld [smem:$0x3FA1];
	_ =	sdelay $0x3  }
0x37: {  	[smem:$0x3FA1] =	sst s10  }
0x38: {  	s10 =	sld [smem:$0x3FA2]  }
0x39: {  	_ = 	snop;
	(pc) =	sbr.ind lr, $3  }
0x3a: {  	_ = 	snop  }
0x3b: {  	_ = 	snop  }
0x3c: {  	p2 =	seq.s32 s10, $0x1;
	s10 =	sld [smem:$0x3FA1]  }
0x3d: {  	_ =	shalt  }
0x3e: {  	_ =	shalt  }
0x3f: {  	_ =	shalt  }
0x40: {  	_ =	shalt  }
0x41: {  	_ =	shalt  }
0x42: {  	_ =	shalt  }
0x43: {  	_ =	shalt  }
0x44: {  	_ =	shalt  }
0x45: {  	_ =	shalt  }
0x46: {  	_ =	shalt  }
0x47: {  	_ =	shalt  }
0x48: {  	_ =	shalt  }
0x49: {  	_ =	shalt  }
0x4a: {  	_ =	shalt  }
0x4b: {  	_ =	shalt  }
0x4c: {  	_ =	shalt  }
0x4d: {  	_ =	shalt  }
0x4e: {  	_ =	shalt  }
0x4f: {  	_ =	shalt  }
0x50: {  	_ =	shalt  }
0x51: {  	_ =	shalt  }
0x52: {  	_ =	shalt  }
0x53: {  	_ =	shalt  }
0x54: {  	_ =	shalt  }
0x55: {  	_ =	shalt  }
0x56: {  	_ =	shalt  }
0x57: {  	_ =	shalt  }
0x58: {  	_ =	shalt  }
0x59: {  	_ =	shalt  }
0x5a: {  	_ =	shalt  }
0x5b: {  	_ =	shalt  }
0x5c: {  	_ =	shalt  }
0x5d: {  	_ =	shalt  }
0x5e: {  	_ =	shalt  }
0x5f: {  	_ =	shalt  }
0x60: {  	_ =	shalt  }
0x61: {  	_ =	shalt  }
0x62: {  	_ =	shalt  }
0x63: {  	_ =	shalt  }
0x64: {  	_ =	shalt  }
0x65: {  	_ =	shalt  }
0x66: {  	_ =	shalt  }
0x67: {  	_ =	shalt  }
0x68: {  	_ =	shalt  }
0x69: {  	_ =	shalt  }
0x6a: {  	_ =	shalt  }
0x6b: {  	_ =	shalt  }
0x6c: {  	_ =	shalt  }
0x6d: {  	_ =	shalt  }
0x6e: {  	_ =	shalt  }
0x6f: {  	_ =	shalt  }
0x70: {  	_ =	shalt  }
0x71: {  	_ =	shalt  }
0x72: {  	_ =	shalt  }
0x73: {  	_ =	shalt  }
0x74: {  	_ =	shalt  }
0x75: {  	_ =	shalt  }
0x76: {  	_ =	shalt  }
0x77: {  	_ =	shalt  }
0x78: {  	_ =	shalt  }
0x79: {  	_ =	shalt  }
0x7a: {  	_ =	shalt  }
0x7b: {  	_ =	shalt  }
0x7c: {  	_ =	shalt  }
0x7d: {  	_ =	shalt  }
0x7e: {  	_ =	shalt  }
0x7f: {  	_ =	shalt  }
0x80: {  	_ =	shalt  }
0x81: {  	_ =	shalt  }
0x82: {  	_ =	shalt  }
0x83: {  	_ =	shalt  }
0x84: {  	_ =	shalt  }
0x85: {  	_ =	shalt  }
0x86: {  	_ =	shalt  }
0x87: {  	_ =	shalt  }
.Lfunc_end0:
.L_simem_size_0:
called_computation_lowered:
.L_overlay_start_0:
0x88: {  	s2 =	sld [smem:$0x3FD9]  }
0x89: {  	s3 =	sld [smem:$0x3FFE];
	_ =	sdelay $0x1  }
0x8a: {  	s1 =	srdreg.scid  }
0x8b: {  	s0 =	sand.u32 $0x1, s1  }
0x8c: {  	s16 =	sshll.u32 s0, $0xA;
	s2 =	sadd.s32 s3, s2  }
0x8d: {  	s2 =	sadd.s32 s2, s16  }
0x8e: {  	[smem:$0x3FAD] =	sst s2  }
0x8f: {  	_ = 	snop  }
0x90: {  	(tm) =	ssettm $0x1  }
0x91: {  	s17 =	sld [smem:$0x3FFB];
	_ =	sdelay $0x3  }
0x92: {  	_ =	strace s17  }
0x93: {  	s2 =	sld [smem:$0x3FFC];
	_ =	sdelay $0x3  }
0x94: {  	_ =	strace s2  }
0x95: {  	s2 =	sld [smem:$0x3FFD];
	_ =	sdelay $0x3  }
0x96: {  	_ =	strace s2  }
0x97: {  	_ =	strace $0x8FFFFFFF  }
0x98: {  	s18 =	sld [smem:$0x3FDB];
	_ =	sdelay $0x1  }
0x99: {  	s19 =	simm.s32 $_scs_section_size  }
0x9a: {  	s4 =	simm.s32 $_size__tile_overlayer_lowered;
	s5 =	simm.s32 $_tile_overlayer_lowered  }
0x9b: {  	s22 =	simm.s32 $0x1BFF;
	s21 =	sshll.u32 s5, $0x1;
	s2 =	sadd.s32 s19, s18  }
0x9c: {  	s6 =	simm.s32 $0x0;
	s20 =	sshll.u32 s4, $0x1;
	s4 =	sadd.s32 s21, s2  }
0x9d: {  	[timem:s6], [sflag:s22] =	dma.local [hbm:s4], s20  }
0x9e: {  	_ =	swait.ge [sflag:s22], s20  }
0x9f: {  	s3 =	ssub.s32 $0x0, s20;
	[sflag:s22] =	ssyncset.done $0x0  }
0xa0: {  	[sflag:s22] =	ssyncadd.s32 s3;
	_ =	sdelay $0x1  }
0xa1: {  	s23 =	simm.s32 $0x1B8B  }
0xa2: {  	_ =	swait.ge [sflag:s23], $0x1  }
0xa3: {  	[sflag:s23] =	ssyncset.done $0x0  }
0xa4: {  	s25 =	simm.s32 $0x1B8E;
	s24 =	sld [smem:$0x3FFE];
	[sflag:s23] =	ssyncadd.s32 $0xFFFFFFFF  }
0xa5: {  	s26 =	simm.s32 $execute0_lowered;
	[smem:$0x3FD2] =	sst s25  }
0xa6: {  	s4 =	sshll.u32 s26, $0x1;
	_ =	strace $0x80000046;
	[dreg:$0x1] =	wrdreg $0xFFFFFFFF  }
0xa7: {  	s28 =	simm.s32 $_size_execute0_lowered;
	s2 =	sadd.s32 s2, s4;
	[dreg:$0x0] =	wrdreg $0x0  }
0xa8: {  	s4 =	sshll.u32 s28, $0x1;
	[dreg:$0x2] =	wrdreg s2  }
0xa9: {  	[dreg:$0x3] =	wrdreg s4  }
0xaa: {  	[dreg:$0x4] =	wrdreg $0xC0  }
0xab: {  	_ =	task [dreg:s6], $0x5FFFF  }
0xac: {  	[dreg:$0x1] =	wrdreg $0xFFFFFFFF  }
0xad: {  	[dreg:$0x0] =	wrdreg $0x60  }
0xae: {  	[dreg:$0x2] =	wrdreg s24  }
0xaf: {  	[dreg:$0x3] =	wrdreg $0x9  }
0xb0: {  	_ =	task.clear_ibuf [dreg:s6], $0x4FFFF;
	_ =	strace $0x90000046  }
0xb1: {  	s29 =	simm.s32 $0x9;
	_ =	strace $0x80000048  }
0xb2: {  	_ =	swait.ge [sflag:s29], $0x1  }
0xb3: {  	[sflag:s29] =	ssyncadd.s32 $0xFFFFFFFF  }
0xb4: {  	_ =	strace $0x90000048  }
0xb5: {  	_ =	sfence  }
0xb6: {  	s30 =	sld [smem:$0x0];
	_ =	sdelay $0x2  }
0xb7: {  	s31 =	sshll.u32 s1, $0xD;
	s1 =	sshrl.u32 s1, $0x2  }
0xb8: {  	s3 =	sand.u32 $0x4000, s31;
	s1 =	sadd.s32 s1, s30  }
0xb9: {  	s0 =	sor.u32 s3, s0;
	s1 =	sshll.u32 s1, $0x11  }
0xba: {  	s0 =	sor.u32 s1, s0  }
0xbb: {  	s0 =	sadd.s32 $0x8F2B, s0  }
0xbc: {  	[sflag:s0] =	ssyncadd.remote.s32 $0x1  }
0xbd: {  	_ =	sfence.sel $0xFFFF  }
0xbe: {  	[dreg:$0x0] =	wrdreg $0xFFFFFFFF;
	(pc) =	sbr.abs _section_cstart, $3  }
0xbf: {  	[dreg:$0x1] =	wrdreg $0xFFFFFFFF  }
0xc0: {  	_ =	task.clear_ibuf [dreg:s6], $0x2FFFF;
	_ =	strace $0x9FFFFFFF  }
0xc1: {  	(tm) =	ssettm $0x7FFFFFFF  }
tec
execute0_lowered:
.L_overlay_start_1:
0x0: {  	(tag) =	ssettag $0x1  }
0x1: {  	s4 =	rddreg [dreg:$0x0]  }
0x2: {  	s0 =	rddreg [dreg:$0x1];
	s2 =	simm.s32 $0x0;
	s3 =	srdreg.scid  }
0x3: {  	s1 =	stileid.u32;
	s10 =	simm.s32 $0x310;
	s11 =	simm.s32 $0x380  }
0x4: {  	s12 =	simm.s32 $0x1;
	s13 =	simm.s32 $0x0;
	s6 =	smul.u32 $0xC400, s1  }
0x5: {  	[smem:$0x7FF] =	sst s2;
	s5 =	sand.u32 $0x1, s3;
	s8 =	smul.u32 $0xC4000, s1  }
0x6: {  	s3 =	sadd.s32 $0x36200, s4;
	s7 =	smul.u32 $0x6200, s5;
	s9 =	ssub.s32 $0x2, s5  }
0x7: {  	_ =	strace $0x80000047;
	s5 =	smul.u32 $0x62000, s5;
	s29 =	sshrl.u32 s9, $0x1  }
0x8: {  	s8 =	sadd.s32 s8, s4;
	s6 =	sadd.s32 s7, s6;
	s7 =	ssub.s32 s9, s29  }
0x9: {  	s31 =	sadd.s32 s5, s8;
	s9 =	simm.s32 $0x2;
	s6 =	sshrl.u32 s6, $0x3  }
0xa: {  	s5 =	sadd.s32 $0xF9800, s31;
	s30 =	sadd.s32 s6, s4;
	s4 =	smax.u32 s7, $0x1  }
0xb: {  	s6 =	sadd.s32 $0xD39800, s31;
	s7 =	sadd.s32 $0x1DA00, s30;
	s8 =	sadd.s32 $0x5200, s30  }
.LBB2_1:
0xc: {  	s14 =	sadd.s32 $0x0, s8  }
0xd: {  	[tilespmem:s2], [sflag:$0x2] =	stream.linear.gather [hbm4b:s14+s2], $0x310, $0x38;
	[tilespmem:$0x18B80] =	vst v63  }
0xe: {  	_ =	swait.ge [sflag:s9], $0x310  }
0xf: {  	[sflag:s9] =	ssyncset.done $0x0  }
0x10: {  	[sflag:s9] =	ssyncadd.s32 $0xFFFFFCF0  }
0x11: {  	[tilespmem:s11], [sflag:$0x1] =	stream.indirect.gather [hbm4b:s3+s10], $0x80, s2, s10, $0xb8;
	[tilespmem:$0x18B80] =	vst v63  }
0x12: {  	_ =	swait.ge [sflag:s12], $0x18800  }
0x13: {  	[sflag:s12] =	ssyncset.done $0x0  }
0x14: {  	[sflag:s12] =	ssyncadd.s32 $0xFFFE7800  }
0x15: {  	[hbm4b:s5+s2] =	stream.linear.scatter [tilespmem:s11], [sflag:$0x2], $0x18800, $0x38;
	[tilespmem:$0x18B80] =	vst v63  }
0x16: {  	_ =	swait.ge [sflag:s9], $0x18800  }
0x17: {  	[sflag:s9] =	ssyncset.done $0x0  }
0x18: {  	s31 =	sadd.s32 $0x0, s7;
	[sflag:s9] =	ssyncadd.s32 $0xFFFE7800  }
0x19: {  	[tilespmem:s2], [sflag:$0x2] =	stream.linear.gather [hbm4b:s31+s2], $0x310, $0x38;
	[tilespmem:$0x18B80] =	vst v63  }
0x1a: {  	_ =	swait.ge [sflag:s9], $0x310  }
0x1b: {  	[sflag:s9] =	ssyncset.done $0x0  }
0x1c: {  	[sflag:s9] =	ssyncadd.s32 $0xFFFFFCF0  }
0x1d: {  	[tilespmem:s11], [sflag:$0x1] =	stream.indirect.gather [hbm4b:s3+s10], $0x80, s2, s10, $0xb8;
	[tilespmem:$0x18B80] =	vst v63  }
0x1e: {  	_ =	swait.ge [sflag:s12], $0x18800  }
0x1f: {  	[sflag:s12] =	ssyncset.done $0x0  }
0x20: {  	[sflag:s12] =	ssyncadd.s32 $0xFFFE7800  }
0x21: {  	[hbm4b:s6+s2] =	stream.linear.scatter [tilespmem:s11], [sflag:$0x2], $0x18800, $0x38;
	[tilespmem:$0x18B80] =	vst v63  }
0x22: {  	s15 =	simm.s32 $0x62;
	s17 =	simm.s32 $0xC4;
	_ =	swait.ge [sflag:s9], $0x18800  }
0x23: {  	s16 =	sadd.s32 $0x3100, s5;
	s14 =	sadd.s32 $0x3100, s6;
	[sflag:s9] =	ssyncset.done $0x0  }
.LBB2_2:
0x24: {  	s18 =	sadd.s32 s15, s8  }
0x25: {  	[sflag:s9] =	ssyncadd.s32 $0xFFFE7800;
	s19 =	smov.u32 s17;
	s20 =	sadd.s32 $0x62, s17  }
0x26: {  	[tilespmem:s2], [sflag:$0x2] =	stream.linear.gather [hbm4b:s18+s2], $0x310, $0x38;
	[tilespmem:$0x18B80] =	vst v63  }
0x27: {  	p0 =	sne.s32 s17, $0xBDE;
	_ =	swait.ge [sflag:s9], $0x310  }
0x28: {  	[sflag:s9] =	ssyncset.done $0x0  }
0x29: {  	[sflag:s9] =	ssyncadd.s32 $0xFFFFFCF0  }
0x2a: {  	[tilespmem:s11], [sflag:$0x1] =	stream.indirect.gather [hbm4b:s3+s10], $0x80, s2, s10, $0xb8;
	[tilespmem:$0x18B80] =	vst v63  }
0x2b: {  	_ =	swait.ge [sflag:s12], $0x18800  }
0x2c: {  	[sflag:s12] =	ssyncset.done $0x0  }
0x2d: {  	[sflag:s12] =	ssyncadd.s32 $0xFFFE7800  }
0x2e: {  	[hbm4b:s16+s2] =	stream.linear.scatter [tilespmem:s11], [sflag:$0x2], $0x18800, $0x38;
	[tilespmem:$0x18B80] =	vst v63  }
0x2f: {  	_ =	swait.ge [sflag:s9], $0x18800  }
0x30: {  	[sflag:s9] =	ssyncset.done $0x0  }
0x31: {  	s17 =	sadd.s32 s15, s7;
	s15 =	smov.u32 s19;
	[sflag:s9] =	ssyncadd.s32 $0xFFFE7800  }
0x32: {  	[tilespmem:s2], [sflag:$0x2] =	stream.linear.gather [hbm4b:s17+s2], $0x310, $0x38;
	[tilespmem:$0x18B80] =	vst v63  }
0x33: {  	_ =	swait.ge [sflag:s9], $0x310  }
0x34: {  	[sflag:s9] =	ssyncset.done $0x0  }
0x35: {  	[sflag:s9] =	ssyncadd.s32 $0xFFFFFCF0  }
0x36: {  	[tilespmem:s11], [sflag:$0x1] =	stream.indirect.gather [hbm4b:s3+s10], $0x80, s2, s10, $0xb8;
	[tilespmem:$0x18B80] =	vst v63  }
0x37: {  	_ =	swait.ge [sflag:s12], $0x18800  }
.Ltmp0:
0x38: {  	[sflag:s12] =	ssyncset.done $0x0;
	(pc) =	sbr.rel @p0 .LBB2_2-.Ltmp0, $4  }
0x39: {  	[sflag:s12] =	ssyncadd.s32 $0xFFFE7800  }
0x3a: {  	[hbm4b:s14+s2] =	stream.linear.scatter [tilespmem:s11], [sflag:$0x2], $0x18800, $0x38;
	[tilespmem:$0x18B80] =	vst v63  }
0x3b: {  	s16 =	sadd.s32 $0x3100, s16;
	_ =	swait.ge [sflag:s9], $0x18800  }
0x3c: {  	s17 =	smov.u32 s20;
	s14 =	sadd.s32 $0x3100, s14;
	[sflag:s9] =	ssyncset.done $0x0  }
0x3d: {  	s17 =	sadd.s32 s15, s8;
	[sflag:s9] =	ssyncadd.s32 $0xFFFE7800  }
0x3e: {  	[tilespmem:s2], [sflag:$0x2] =	stream.linear.gather [hbm4b:s17+s2], $0x310, $0x38;
	[tilespmem:$0x18B80] =	vst v63  }
0x3f: {  	_ =	swait.ge [sflag:s9], $0x310  }
0x40: {  	[sflag:s9] =	ssyncset.done $0x0  }
0x41: {  	[sflag:s9] =	ssyncadd.s32 $0xFFFFFCF0  }
0x42: {  	[tilespmem:s11], [sflag:$0x1] =	stream.indirect.gather [hbm4b:s3+s10], $0x80, s2, s10, $0xb8;
	[tilespmem:$0x18B80] =	vst v63  }
0x43: {  	_ =	swait.ge [sflag:s12], $0x18800  }
0x44: {  	[sflag:s12] =	ssyncset.done $0x0  }
0x45: {  	[sflag:s12] =	ssyncadd.s32 $0xFFFE7800  }
0x46: {  	[hbm4b:s16+s2] =	stream.linear.scatter [tilespmem:s11], [sflag:$0x2], $0x18800, $0x38;
	[tilespmem:$0x18B80] =	vst v63  }
0x47: {  	_ =	swait.ge [sflag:s9], $0x18800  }
0x48: {  	[sflag:s9] =	ssyncset.done $0x0  }
0x49: {  	s31 =	sadd.s32 s15, s7;
	[sflag:s9] =	ssyncadd.s32 $0xFFFE7800  }
0x4a: {  	[tilespmem:s2], [sflag:$0x2] =	stream.linear.gather [hbm4b:s31+s2], $0x310, $0x38;
	[tilespmem:$0x18B80] =	vst v63  }
0x4b: {  	_ =	swait.ge [sflag:s9], $0x310  }
0x4c: {  	[sflag:s9] =	ssyncset.done $0x0  }
0x4d: {  	[sflag:s9] =	ssyncadd.s32 $0xFFFFFCF0  }
0x4e: {  	[tilespmem:s11], [sflag:$0x1] =	stream.indirect.gather [hbm4b:s3+s10], $0x80, s2, s10, $0xb8;
	[tilespmem:$0x18B80] =	vst v63  }
0x4f: {  	s13 =	sadd.s32 $0x1, s13;
	_ =	swait.ge [sflag:s12], $0x18800  }
0x50: {  	p0 =	sne.s32 s13, s4;
	[sflag:s12] =	ssyncset.done $0x0  }
.Ltmp1:
0x51: {  	[sflag:s12] =	ssyncadd.s32 $0xFFFE7800;
	(pc) =	sbr.rel @p0 .LBB2_1-.Ltmp1, $4  }
0x52: {  	[hbm4b:s14+s2] =	stream.linear.scatter [tilespmem:s11], [sflag:$0x2], $0x18800, $0x38;
	[tilespmem:$0x18B80] =	vst v63  }
0x53: {  	_ =	swait.ge [sflag:s9], $0x18800  }
0x54: {  	[sflag:s9] =	ssyncset.done $0x0  }
0x55: {  	[sflag:s9] =	ssyncadd.s32 $0xFFFE7800  }
0x56: {  	_ =	sfence.sel $0x180000  }
0x57: {  	[bflag:$0x0] =	sbarrier.arrive $0xFFFF  }
0x58: {  	p0 =	sne.s32 s1, $0x0;
	_ =	strace $0x90000047  }
0x59: {  	s0 =	sadd.s32 @!p0 $0x100000, s0;
	[bflag:$0x2] =	sbarrier.arrive $0xFFFF  }
0x5a: {  	[sflag:s0] =	ssyncadd.tile.s32 @!p0 $0x1;
	_ =	shalt  }
.Lfunc_end2:
_tile_overlayer_lowered:
.L_overlay_start_2:
0x5b: {  	(tag) =	ssettag $0x2  }
0x5c: {  	s0 =	rddreg [dreg:$0x0];
	s2 =	stileid.u32  }
0x5d: {  	s1 =	rddreg [dreg:$0x1];
	p0 =	sne.s32 s2, $0x0  }
0x5e: {  	s3 =	rddreg [dreg:$0x2];
	[bflag:$0x3] =	sbarrier.arrive $0xFFFF;
	s2 =	simm.s32 @!p0 $0x1C02  }
0x5f: {  	[timem:s3], [sflag:s2] =	dma.local @!p0 [hbm:s0], s1  }
0x60: {  	s0 =	simm.s32 @!p0 $0x2  }
0x61: {  	_ =	swait.ge @!p0 [sflag:s0], s1  }
0x62: {  	s1 =	ssub.s32 @!p0 $0x0, s1;
	[sflag:s0] =	ssyncset.done @!p0 $0x0  }
0x63: {  	[sflag:s0] =	ssyncadd.s32 @!p0 s1  }
0x64: {  	[bflag:$0x3] =	sbarrier.arrive $0xFFFF  }
0x65: {  	_ =	shalt  }

// kernel: kernel.13.cloned.1.call-start
scs
__scs_entry_jumppad:
0x0: {  	(pc) =	sbr.rel $0x88, $3  }
0x1: {  	(tag) =	ssettag $0x0;
	lr =	simm.s32 $0x1  }
0x2: {  	[smem:$0x3F86] =	sst lr;
	_ =	strace $0xD0000000  }
0x3: {  	_ = 	snop  }
0x4: {  	_ = 	snop  }
0x5: {  	_ = 	snop  }
0x6: {  	_ = 	snop  }
0x7: {  	_ = 	snop  }
__scs_overlays_trampoline_lowered:
0x8: {  	[smem:$0x3F95] =	sst s0  }
0x9: {  	[smem:$0x3F96] =	sst s1  }
0xa: {  	[smem:$0x3F97] =	sst s2  }
0xb: {  	[smem:$0x3F98] =	sst s3  }
0xc: {  	[smem:$0x3F99] =	sst s4  }
0xd: {  	[smem:$0x3F9A] =	sst s5  }
0xe: {  	[smem:$0x3F9B] =	sst s6  }
0xf: {  	[smem:$0x3F9C] =	sst s7  }
0x10: {  	[smem:$0x3F9D] =	sst s8  }
0x11: {  	[smem:$0x3F9E] =	sst s9;
	s0 =	simm.s32 @!p0 $0x0  }
0x12: {  	s1 =	sld [smem:$0x3F84];
	s0 =	simm.s32 @p0 $0x1  }
0x13: {  	[smem:$0x3F9F] =	sst s0;
	s0 =	simm.s32 @!p1 $0x0  }
0x14: {  	s2 =	sld [smem:$0x3F83];
	s0 =	simm.s32 @p1 $0x1  }
0x15: {  	[smem:$0x3FA0] =	sst s0;
	s0 =	simm.s32 @!p2 $0x0  }
0x16: {  	s3 =	sld [smem:$0x3FDB];
	s0 =	simm.s32 @p2 $0x1  }
0x17: {  	s4 =	simm.s32 $0x1BF5;
	[smem:$0x3FA2] =	sst s0  }
0x18: {  	s0 =	sld [smem:$0x3F85];
	_ =	swait.ge [sflag:s4], $0x0  }
0x19: {  	s7 =	sld [smem:$0x3F86]  }
0x1a: {  	s8 =	sadd.s32 $0xFFFFE003, lr  }
0x1b: {  	s9 =	sadd.s32 $0xFFFFFEF7, lr;
	s5 =	simm.s32 $0xFFFFFFFF;
	p2 =	slt.u32 s8, $0xFFFFF086  }
0x1c: {  	p1 =	slt.u32 s9, $0xF7A;
	s5 =	simm.s32 @!p2 $0x0  }
0x1d: {  	s5 =	simm.s32 @p1 $0x1;
	p0 =	seq.s32 s7, s2  }
0x1e: {  	s7 =	smul.u32 @!p0 $0xF7A, s2;
	p2 =	seq.s32 @!p0 s5, $0x0  }
0x1f: {  	s9 =	smul.u32 $0xF7A, s1;
	s8 =	simm.s32 @!p0 $0x1BF5;
	p2 =	por !p2, p0  }
0x20: {  	[sflag:s8] =	ssyncset.s32 @!p0 $0xFFFFF086;
	s6 =	sadd.s32 @!p0 s3, s7;
	s7 =	simm.s32 @!p0 $0x108  }
0x21: {  	s3 =	sadd.s32 s3, s9;
	s6 =	sadd.s32 @!p0 $0x88, s6;
	s7 =	simm.s32 @p2 $0x1082  }
0x22: {  	[simem:s7], [sflag:s8] =	dma.local @!p0 [hbm:s6], $0xF7A  }
0x23: {  	s9 =	sor.u32 $0xD0000000, s2;
	s6 =	simm.s32 $0x108;
	_ =	swait.ge @!p0 [sflag:s8], $0x0  }
0x24: {  	s3 =	sadd.s32 $0x88, s3;
	s6 =	simm.s32 @!p1 $0x1082;
	[sflag:s4] =	ssyncset.s32 $0xFFFFF086  }
0x25: {  	[simem:s6], [sflag:s4] =	dma.local [hbm:s3], $0xF7A  }
0x26: {  	[smem:$0x3F86] =	sst s1;
	(tag) =	ssettag s2;
	_ =	strace s9  }
0x27: {  	s1 =	sld [smem:$0x3F96]  }
0x28: {  	s2 =	sld [smem:$0x3F97]  }
0x29: {  	s4 =	sld [smem:$0x3F99]  }
0x2a: {  	p0 =	seq.s32 s5, $0x0;
	s5 =	sld [smem:$0x3F9A]  }
0x2b: {  	s6 =	sld [smem:$0x3F9B]  }
0x2c: {  	s7 =	sld [smem:$0x3F9C]  }
0x2d: {  	s3 =	simm.s32 $0x108;
	s8 =	sld [smem:$0x3F9D]  }
0x2e: {  	s3 =	simm.s32 @!p0 $0x1082;
	s9 =	sld [smem:$0x3F9E]  }
0x2f: {  	lr =	sadd.s32 s0, s3;
	s0 =	sld [smem:$0x3F95]  }
0x30: {  	s3 =	sld [smem:$0x3F98]  }
0x31: {  	[smem:$0x3FA1] =	sst s10  }
0x32: {  	s10 =	sld [smem:$0x3F9F];
	_ =	sdelay $0x3  }
0x33: {  	p0 =	seq.s32 s10, $0x1;
	s10 =	sld [smem:$0x3FA1];
	_ =	sdelay $0x3  }
0x34: {  	[smem:$0x3FA1] =	sst s10  }
0x35: {  	s10 =	sld [smem:$0x3FA0];
	_ =	sdelay $0x3  }
0x36: {  	p1 =	seq.s32 s10, $0x1;
	s10 =	sld [smem:$0x3FA1];
	_ =	sdelay $0x3  }
0x37: {  	[smem:$0x3FA1] =	sst s10  }
0x38: {  	s10 =	sld [smem:$0x3FA2]  }
0x39: {  	_ = 	snop;
	(pc) =	sbr.ind lr, $3  }
0x3a: {  	_ = 	snop  }
0x3b: {  	_ = 	snop  }
0x3c: {  	p2 =	seq.s32 s10, $0x1;
	s10 =	sld [smem:$0x3FA1]  }
0x3d: {  	_ =	shalt  }
0x3e: {  	_ =	shalt  }
0x3f: {  	_ =	shalt  }
0x40: {  	_ =	shalt  }
0x41: {  	_ =	shalt  }
0x42: {  	_ =	shalt  }
0x43: {  	_ =	shalt  }
0x44: {  	_ =	shalt  }
0x45: {  	_ =	shalt  }
0x46: {  	_ =	shalt  }
0x47: {  	_ =	shalt  }
0x48: {  	_ =	shalt  }
0x49: {  	_ =	shalt  }
0x4a: {  	_ =	shalt  }
0x4b: {  	_ =	shalt  }
0x4c: {  	_ =	shalt  }
0x4d: {  	_ =	shalt  }
0x4e: {  	_ =	shalt  }
0x4f: {  	_ =	shalt  }
0x50: {  	_ =	shalt  }
0x51: {  	_ =	shalt  }
0x52: {  	_ =	shalt  }
0x53: {  	_ =	shalt  }
0x54: {  	_ =	shalt  }
0x55: {  	_ =	shalt  }
0x56: {  	_ =	shalt  }
0x57: {  	_ =	shalt  }
0x58: {  	_ =	shalt  }
0x59: {  	_ =	shalt  }
0x5a: {  	_ =	shalt  }
0x5b: {  	_ =	shalt  }
0x5c: {  	_ =	shalt  }
0x5d: {  	_ =	shalt  }
0x5e: {  	_ =	shalt  }
0x5f: {  	_ =	shalt  }
0x60: {  	_ =	shalt  }
0x61: {  	_ =	shalt  }
0x62: {  	_ =	shalt  }
0x63: {  	_ =	shalt  }
0x64: {  	_ =	shalt  }
0x65: {  	_ =	shalt  }
0x66: {  	_ =	shalt  }
0x67: {  	_ =	shalt  }
0x68: {  	_ =	shalt  }
0x69: {  	_ =	shalt  }
0x6a: {  	_ =	shalt  }
0x6b: {  	_ =	shalt  }
0x6c: {  	_ =	shalt  }
0x6d: {  	_ =	shalt  }
0x6e: {  	_ =	shalt  }
0x6f: {  	_ =	shalt  }
0x70: {  	_ =	shalt  }
0x71: {  	_ =	shalt  }
0x72: {  	_ =	shalt  }
0x73: {  	_ =	shalt  }
0x74: {  	_ =	shalt  }
0x75: {  	_ =	shalt  }
0x76: {  	_ =	shalt  }
0x77: {  	_ =	shalt  }
0x78: {  	_ =	shalt  }
0x79: {  	_ =	shalt  }
0x7a: {  	_ =	shalt  }
0x7b: {  	_ =	shalt  }
0x7c: {  	_ =	shalt  }
0x7d: {  	_ =	shalt  }
0x7e: {  	_ =	shalt  }
0x7f: {  	_ =	shalt  }
0x80: {  	_ =	shalt  }
0x81: {  	_ =	shalt  }
0x82: {  	_ =	shalt  }
0x83: {  	_ =	shalt  }
0x84: {  	_ =	shalt  }
0x85: {  	_ =	shalt  }
0x86: {  	_ =	shalt  }
0x87: {  	_ =	shalt  }
.Lfunc_end0:
.L_simem_size_0:
called_computation.1_lowered:
.L_overlay_start_0:
0x88: {  	s2 =	sld [smem:$0x3FD9]  }
0x89: {  	s3 =	sld [smem:$0x3FFE];
	_ =	sdelay $0x1  }
0x8a: {  	s1 =	srdreg.scid  }
0x8b: {  	s0 =	sand.u32 $0x1, s1  }
0x8c: {  	s16 =	sshll.u32 s0, $0xA;
	s2 =	sadd.s32 s3, s2  }
0x8d: {  	s2 =	sadd.s32 s2, s16  }
0x8e: {  	[smem:$0x3FAD] =	sst s2  }
0x8f: {  	_ = 	snop  }
0x90: {  	(tm) =	ssettm $0x1  }
0x91: {  	s17 =	sld [smem:$0x3FFB];
	_ =	sdelay $0x3  }
0x92: {  	_ =	strace s17  }
0x93: {  	s2 =	sld [smem:$0x3FFC];
	_ =	sdelay $0x3  }
0x94: {  	_ =	strace s2  }
0x95: {  	s2 =	sld [smem:$0x3FFD];
	_ =	sdelay $0x3  }
0x96: {  	_ =	strace s2  }
0x97: {  	_ =	strace $0x8FFFFFFF  }
0x98: {  	s18 =	sld [smem:$0x3FDB];
	_ =	sdelay $0x1  }
0x99: {  	s19 =	simm.s32 $_scs_section_size  }
0x9a: {  	s4 =	simm.s32 $_size__tile_overlayer_lowered;
	s5 =	simm.s32 $_tile_overlayer_lowered  }
0x9b: {  	s22 =	simm.s32 $0x1BFF;
	s21 =	sshll.u32 s5, $0x1;
	s2 =	sadd.s32 s19, s18  }
0x9c: {  	s6 =	simm.s32 $0x0;
	s20 =	sshll.u32 s4, $0x1;
	s4 =	sadd.s32 s21, s2  }
0x9d: {  	[timem:s6], [sflag:s22] =	dma.local [hbm:s4], s20  }
0x9e: {  	_ =	swait.ge [sflag:s22], s20  }
0x9f: {  	s3 =	ssub.s32 $0x0, s20;
	[sflag:s22] =	ssyncset.done $0x0  }
0xa0: {  	[sflag:s22] =	ssyncadd.s32 s3;
	_ =	sdelay $0x1  }
0xa1: {  	s23 =	simm.s32 $0x1B8B  }
0xa2: {  	_ =	swait.ge [sflag:s23], $0x1  }
0xa3: {  	[sflag:s23] =	ssyncset.done $0x0  }
0xa4: {  	s25 =	simm.s32 $0x1B8E;
	s24 =	sld [smem:$0x3FFE];
	[sflag:s23] =	ssyncadd.s32 $0xFFFFFFFF  }
0xa5: {  	s26 =	simm.s32 $execute0_lowered;
	[smem:$0x3FD2] =	sst s25  }
0xa6: {  	s4 =	sshll.u32 s26, $0x1;
	_ =	strace $0x80000049;
	[dreg:$0x1] =	wrdreg $0xFFFFFFFF  }
0xa7: {  	s28 =	simm.s32 $_size_execute0_lowered;
	s2 =	sadd.s32 s2, s4;
	[dreg:$0x0] =	wrdreg $0x0  }
0xa8: {  	s4 =	sshll.u32 s28, $0x1;
	[dreg:$0x2] =	wrdreg s2  }
0xa9: {  	[dreg:$0x3] =	wrdreg s4  }
0xaa: {  	[dreg:$0x4] =	wrdreg $0xC0  }
0xab: {  	_ =	task [dreg:s6], $0x5FFFF  }
0xac: {  	[dreg:$0x1] =	wrdreg $0xFFFFFFFF  }
0xad: {  	[dreg:$0x0] =	wrdreg $0x60  }
0xae: {  	[dreg:$0x2] =	wrdreg s24  }
0xaf: {  	[dreg:$0x3] =	wrdreg $0x42000  }
0xb0: {  	[dreg:$0x4] =	wrdreg $0x9  }
0xb1: {  	_ =	task.clear_ibuf [dreg:s6], $0x5FFFF;
	_ =	strace $0x90000049  }
0xb2: {  	s29 =	simm.s32 $0x9;
	_ =	strace $0x8000004B  }
0xb3: {  	_ =	swait.ge [sflag:s29], $0x1  }
0xb4: {  	[sflag:s29] =	ssyncadd.s32 $0xFFFFFFFF  }
0xb5: {  	_ =	strace $0x9000004B  }
0xb6: {  	_ =	sfence  }
0xb7: {  	s30 =	sld [smem:$0x0];
	_ =	sdelay $0x2  }
0xb8: {  	s31 =	sshll.u32 s1, $0xD;
	s1 =	sshrl.u32 s1, $0x2  }
0xb9: {  	s3 =	sand.u32 $0x4000, s31;
	s1 =	sadd.s32 s1, s30  }
0xba: {  	s0 =	sor.u32 s3, s0;
	s1 =	sshll.u32 s1, $0x11  }
0xbb: {  	s0 =	sor.u32 s1, s0  }
0xbc: {  	s0 =	sadd.s32 $0x8F2B, s0  }
0xbd: {  	[sflag:s0] =	ssyncadd.remote.s32 $0x1  }
0xbe: {  	_ =	sfence.sel $0xFFFF  }
0xbf: {  	[dreg:$0x0] =	wrdreg $0xFFFFFFFF;
	(pc) =	sbr.abs _section_cstart, $3  }
0xc0: {  	[dreg:$0x1] =	wrdreg $0xFFFFFFFF  }
0xc1: {  	_ =	task.clear_ibuf [dreg:s6], $0x2FFFF;
	_ =	strace $0x9FFFFFFF  }
0xc2: {  	(tm) =	ssettm $0x7FFFFFFF  }
0xc3: {  	_ =	shalt  }
tec
execute0_lowered:
.L_overlay_start_1:
0x0: {  	(tag) =	ssettag $0x1  }
0x1: {  	s4 =	rddreg [dreg:$0x0]  }
0x2: {  	s2 =	rddreg [dreg:$0x1];
	s1 =	stileid.u32  }
0x3: {  	s0 =	rddreg [dreg:$0x2];
	s5 =	smul.u32 $0x31000, s1  }
0x4: {  	s7 =	srdreg.scid;
	s3 =	simm.s32 $0x0;
	s6 =	smul.u32 $0x1880, s1  }
0x5: {  	s14 =	simm.s32 $0x0;
	s8 =	smul.u32 $0x19000, s1;
	s7 =	sand.u32 $0x1, s7  }
0x6: {  	[smem:$0x7FF] =	sst s3;
	s31 =	sshll.u32 s1, $0x6;
	s9 =	smul.u32 $0x190000, s7  }
0x7: {  	_ =	strace $0x8000004A;
	s29 =	ssub.s32 $0x2, s7;
	p0 =	seq.s32 s7, $0x1  }
0x8: {  	s10 =	sadd.s32 s5, s4;
	s11 =	sadd.s32 s6, s4;
	s28 =	sshrl.u32 s8, $0x3  }
0x9: {  	s30 =	sshrl.u32 s29, $0x1;
	s13 =	sadd.s32 s8, s2;
	s26 =	sadd.s32 s8, s9  }
.Ltmp0:
0xa: {  	s6 =	sadd.s32 s28, s4;
	s9 =	ssub.s32 s29, s30;
	(pc) =	sbr.rel .LBB2_1-.Ltmp0, $4  }
0xb: {  	s8 =	sadd.s32 $0x36200, s10;
	s10 =	sadd.s32 $0x346200, s10;
	s5 =	sshrl.u32 s26, $0x3  }
0xc: {  	s7 =	smax.u32 s9, $0x1;
	s9 =	sadd.s32 $0x5200, s11;
	s11 =	sshrl.u32 s13, $0x3  }
0xd: {  	s13 =	simm.s32 $0x200;
	s12 =	sadd.s32 s5, s4;
	s4 =	sadd.s32 $0x656200, s6  }
0xe: {  	s5 =	sor.u32 $0x1C01, s31;
	s6 =	sadd.s32 $0x688200, s12;
	s12 =	simm.s32 $0x1  }
.LBB2_7:
0xf: {  	s16 =	sadd.s32 s16, s9;
	[sflag:s12] =	ssyncadd.s32 $0xFFFFC000  }
0x10: {  	[tilespmem:s3], [sflag:$0x1] =	stream.linear.gather [hbm4b:s16+s3], $0x200, $0x38;
	[tilespmem:$0x1D200] =	vst v63  }
0x11: {  	_ =	swait.ge [sflag:s12], $0x200  }
0x12: {  	[sflag:s12] =	ssyncset.done $0x0  }
0x13: {  	[sflag:s12] =	ssyncadd.s32 $0xFFFFFE00  }
0x14: {  	[tilespmem:s13], [sflag:$0x1] =	stream.linear.gather [hbm4b:s15+s3], $0x4000, $0x38;
	[tilespmem:$0x1D200] =	vst v63  }
0x15: {  	_ =	swait.ge [sflag:s12], $0x4000  }
0x16: {  	[sflag:s12] =	ssyncset.done $0x0  }
0x17: {  	[sflag:s12] =	ssyncadd.s32 $0xFFFFC000  }
0x18: {  	[spmem:s2] =	stream.indirect.scatter.add.f32 [tilespmem:s13], [sflag:$0x1], $0x20, s3, s13, $0xb8;
	[tilespmem:$0x1D200] =	vst v63  }
0x19: {  	_ =	swait.ge [sflag:s12], $0x4000  }
0x1a: {  	[sflag:s12] =	ssyncset.done $0x0  }
0x1b: {  	[sflag:s12] =	ssyncadd.s32 $0xFFFFC000  }
.LBB2_8:
0x1c: {  	s14 =	sadd.s32 $0x1, s14  }
0x1d: {  	p1 =	sne.s32 s14, s7  }
.Ltmp1:
0x1e: {  	[bflag:$0x0] =	sbarrier.arrive $0xFFFF;
	(pc) =	sbr.rel @!p1 .LBB2_9-.Ltmp1, $4  }
0x1f: {  	[hbm:s6], [sflag:s5] =	dma.local [spmem:s11], $0x3200  }
0x20: {  	_ =	swait.ge [sflag:s12], $0x3200  }
0x21: {  	[sflag:s12] =	ssyncset.done $0x0  }
0x22: {  	[sflag:s12] =	ssyncadd.s32 $0xFFFFCE00  }
.LBB2_1:
0x23: {  	[spmem:s11], [sflag:s5] =	dma.local [hbm:s4], $0x3200  }
.Ltmp2:
0x24: {  	_ =	swait.ge [sflag:s12], $0x3200;
	(pc) =	sbr.rel @!p0 .LBB2_2-.Ltmp2, $4  }
0x25: {  	[sflag:s12] =	ssyncset.done $0x0  }
0x26: {  	[sflag:s12] =	ssyncadd.s32 $0xFFFFCE00  }
0x27: {  	[bflag:$0x0] =	sbarrier.arrive $0xFFFF  }
0x28: {  	s15 =	sadd.s32 $0x0, s9  }
0x29: {  	[tilespmem:s3], [sflag:$0x1] =	stream.linear.gather [hbm4b:s15+s3], $0x200, $0x38;
	[tilespmem:$0x1D200] =	vst v63  }
0x2a: {  	_ =	swait.ge [sflag:s12], $0x200  }
0x2b: {  	[sflag:s12] =	ssyncset.done $0x0  }
0x2c: {  	[sflag:s12] =	ssyncadd.s32 $0xFFFFFE00  }
0x2d: {  	[tilespmem:s13], [sflag:$0x1] =	stream.linear.gather [hbm4b:s10+s3], $0x4000, $0x38;
	[tilespmem:$0x1D200] =	vst v63  }
0x2e: {  	_ =	swait.ge [sflag:s12], $0x4000  }
0x2f: {  	[sflag:s12] =	ssyncset.done $0x0  }
0x30: {  	[sflag:s12] =	ssyncadd.s32 $0xFFFFC000  }
0x31: {  	[spmem:s2] =	stream.indirect.scatter.add.f32 [tilespmem:s13], [sflag:$0x1], $0x20, s3, s13, $0xb8;
	[tilespmem:$0x1D200] =	vst v63  }
0x32: {  	s16 =	simm.s32 $0x40;
	_ =	swait.ge [sflag:s12], $0x4000  }
0x33: {  	s17 =	simm.s32 $0x80;
	s15 =	sadd.s32 $0x800, s10;
	[sflag:s12] =	ssyncset.done $0x0  }
.LBB2_6:
0x34: {  	s18 =	sadd.s32 s16, s9  }
0x35: {  	[sflag:s12] =	ssyncadd.s32 $0xFFFFC000;
	s16 =	smov.u32 s17;
	s19 =	sadd.s32 $0x40, s17  }
0x36: {  	[tilespmem:s3], [sflag:$0x1] =	stream.linear.gather [hbm4b:s18+s3], $0x200, $0x38;
	[tilespmem:$0x1D200] =	vst v63  }
0x37: {  	p1 =	sne.s32 s17, $0x1840;
	_ =	swait.ge [sflag:s12], $0x200  }
0x38: {  	[sflag:s12] =	ssyncset.done $0x0  }
0x39: {  	[sflag:s12] =	ssyncadd.s32 $0xFFFFFE00  }
0x3a: {  	[tilespmem:s13], [sflag:$0x1] =	stream.linear.gather [hbm4b:s15+s3], $0x4000, $0x38;
	[tilespmem:$0x1D200] =	vst v63  }
0x3b: {  	_ =	swait.ge [sflag:s12], $0x4000  }
.Ltmp3:
0x3c: {  	[sflag:s12] =	ssyncset.done $0x0;
	(pc) =	sbr.rel @p1 .LBB2_6-.Ltmp3, $4  }
0x3d: {  	[sflag:s12] =	ssyncadd.s32 $0xFFFFC000  }
0x3e: {  	[spmem:s2] =	stream.indirect.scatter.add.f32 [tilespmem:s13], [sflag:$0x1], $0x20, s3, s13, $0xb8;
	[tilespmem:$0x1D200] =	vst v63  }
0x3f: {  	_ =	swait.ge [sflag:s12], $0x4000  }
0x40: {  	s17 =	smov.u32 s19;
	s15 =	sadd.s32 $0x800, s15;
	[sflag:s12] =	ssyncset.done $0x0  }
.Ltmp4:
0x41: {  	_ = 	snop;
	(pc) =	sbr.rel .LBB2_7-.Ltmp4, $1  }
0x42: {  	_ =	sdelay $0x3  }
.LBB2_2:
0x43: {  	[tilespmem:s3], [sflag:$0x1] =	stream.linear.gather [hbm4b:s15+s3], $0x200, $0x38;
	[tilespmem:$0x1D200] =	vst v63  }
0x44: {  	_ =	swait.ge [sflag:s12], $0x200  }
0x45: {  	[sflag:s12] =	ssyncset.done $0x0  }
0x46: {  	[sflag:s12] =	ssyncadd.s32 $0xFFFFFE00  }
0x47: {  	[tilespmem:s13], [sflag:$0x1] =	stream.linear.gather [hbm4b:s8+s3], $0x4000, $0x38;
	[tilespmem:$0x1D200] =	vst v63  }
0x48: {  	_ =	swait.ge [sflag:s12], $0x4000  }
0x49: {  	[sflag:s12] =	ssyncset.done $0x0  }
0x4a: {  	[sflag:s12] =	ssyncadd.s32 $0xFFFFC000  }
0x4b: {  	[spmem:s2] =	stream.indirect.scatter.add.f32 [tilespmem:s13], [sflag:$0x1], $0x20, s3, s13, $0xb8;
	[tilespmem:$0x1D200] =	vst v63  }
0x4c: {  	s16 =	simm.s32 $0x40;
	_ =	swait.ge [sflag:s12], $0x4000  }
0x4d: {  	s17 =	simm.s32 $0x80;
	s15 =	sadd.s32 $0x800, s8;
	[sflag:s12] =	ssyncset.done $0x0  }
.LBB2_3:
0x4e: {  	s18 =	sadd.s32 s16, s9  }
0x4f: {  	[sflag:s12] =	ssyncadd.s32 $0xFFFFC000;
	s16 =	smov.u32 s17;
	s19 =	sadd.s32 $0x40, s17  }
0x50: {  	[tilespmem:s3], [sflag:$0x1] =	stream.linear.gather [hbm4b:s18+s3], $0x200, $0x38;
	[tilespmem:$0x1D200] =	vst v63  }
0x51: {  	p1 =	seq.s32 s17, $0x1840;
	_ =	swait.ge [sflag:s12], $0x200  }
0x52: {  	[sflag:s12] =	ssyncset.done $0x0  }
0x53: {  	[sflag:s12] =	ssyncadd.s32 $0xFFFFFE00  }
0x54: {  	[tilespmem:s13], [sflag:$0x1] =	stream.linear.gather [hbm4b:s15+s3], $0x4000, $0x38;
	[tilespmem:$0x1D200] =	vst v63  }
0x55: {  	_ =	swait.ge [sflag:s12], $0x4000  }
.Ltmp5:
0x56: {  	[sflag:s12] =	ssyncset.done $0x0;
	(pc) =	sbr.rel @!p1 .LBB2_3-.Ltmp5, $4  }
0x57: {  	[sflag:s12] =	ssyncadd.s32 $0xFFFFC000  }
0x58: {  	[spmem:s2] =	stream.indirect.scatter.add.f32 [tilespmem:s13], [sflag:$0x1], $0x20, s3, s13, $0xb8;
	[tilespmem:$0x1D200] =	vst v63  }
0x59: {  	_ =	swait.ge [sflag:s12], $0x4000  }
0x5a: {  	s17 =	smov.u32 s19;
	s15 =	sadd.s32 $0x800, s15;
	[sflag:s12] =	ssyncset.done $0x0  }
0x5b: {  	s16 =	sadd.s32 s16, s9;
	[sflag:s12] =	ssyncadd.s32 $0xFFFFC000  }
0x5c: {  	[tilespmem:s3], [sflag:$0x1] =	stream.linear.gather [hbm4b:s16+s3], $0x200, $0x38;
	[tilespmem:$0x1D200] =	vst v63  }
0x5d: {  	_ =	swait.ge [sflag:s12], $0x200  }
0x5e: {  	[sflag:s12] =	ssyncset.done $0x0  }
0x5f: {  	[sflag:s12] =	ssyncadd.s32 $0xFFFFFE00  }
0x60: {  	[tilespmem:s13], [sflag:$0x1] =	stream.linear.gather [hbm4b:s15+s3], $0x4000, $0x38;
	[tilespmem:$0x1D200] =	vst v63  }
0x61: {  	_ =	swait.ge [sflag:s12], $0x4000  }
0x62: {  	[sflag:s12] =	ssyncset.done $0x0  }
.Ltmp6:
0x63: {  	[sflag:s12] =	ssyncadd.s32 $0xFFFFC000;
	(pc) =	sbr.rel .LBB2_8-.Ltmp6, $4  }
0x64: {  	[spmem:s2] =	stream.indirect.scatter.add.f32 [tilespmem:s13], [sflag:$0x1], $0x20, s3, s13, $0xb8;
	[tilespmem:$0x1D200] =	vst v63  }
0x65: {  	_ =	swait.ge [sflag:s12], $0x4000  }
0x66: {  	[sflag:s12] =	ssyncset.done $0x0  }
0x67: {  	[sflag:s12] =	ssyncadd.s32 $0xFFFFC000  }
.LBB2_9:
0x68: {  	_ =	sfence.sel $0x180000  }
0x69: {  	[bflag:$0x0] =	sbarrier.arrive $0xFFFF  }
0x6a: {  	p0 =	sne.s32 s1, $0x0;
	_ =	strace $0x9000004A  }
0x6b: {  	s0 =	sadd.s32 @!p0 $0x100000, s0;
	[bflag:$0x2] =	sbarrier.arrive $0xFFFF  }
0x6c: {  	[sflag:s0] =	ssyncadd.tile.s32 @!p0 $0x1;
	_ =	shalt  }
.Lfunc_end2:
_tile_overlayer_lowered:
.L_overlay_start_2:
0x6d: {  	(tag) =	ssettag $0x2  }
0x6e: {  	s0 =	rddreg [dreg:$0x0];
	s2 =	stileid.u32  }
0x6f: {  	s1 =	rddreg [dreg:$0x1];
	p0 =	sne.s32 s2, $0x0  }
0x70: {  	s3 =	rddreg [dreg:$0x2];
	[bflag:$0x3] =	sbarrier.arrive $0xFFFF;
	s2 =	simm.s32 @!p0 $0x1C01  }
0x71: {  	[timem:s3], [sflag:s2] =	dma.local @!p0 [hbm:s0], s1  }
0x72: {  	s0 =	simm.s32 @!p0 $0x1  }
0x73: {  	_ =	swait.ge @!p0 [sflag:s0], s1  }
0x74: {  	s1 =	ssub.s32 @!p0 $0x0, s1;
	[sflag:s0] =	ssyncset.done @!p0 $0x0  }
0x75: {  	[sflag:s0] =	ssyncadd.s32 @!p0 s1  }
0x76: {  	[bflag:$0x3] =	sbarrier.arrive $0xFFFF  }
0x77: {  	_ =	shalt  }

// kernel: kernel.16.cloned.1.call-start
scs
__scs_entry_jumppad:
0x0: {  	(pc) =	sbr.rel $0x88, $3  }
0x1: {  	(tag) =	ssettag $0x0;
	lr =	simm.s32 $0x1  }
0x2: {  	[smem:$0x3F86] =	sst lr;
	_ =	strace $0xD0000000  }
0x3: {  	_ = 	snop  }
0x4: {  	_ = 	snop  }
0x5: {  	_ = 	snop  }
0x6: {  	_ = 	snop  }
0x7: {  	_ = 	snop  }
__scs_overlays_trampoline_lowered:
0x8: {  	[smem:$0x3F95] =	sst s0  }
0x9: {  	[smem:$0x3F96] =	sst s1  }
0xa: {  	[smem:$0x3F97] =	sst s2  }
0xb: {  	[smem:$0x3F98] =	sst s3  }
0xc: {  	[smem:$0x3F99] =	sst s4  }
0xd: {  	[smem:$0x3F9A] =	sst s5  }
0xe: {  	[smem:$0x3F9B] =	sst s6  }
0xf: {  	[smem:$0x3F9C] =	sst s7  }
0x10: {  	[smem:$0x3F9D] =	sst s8  }
0x11: {  	[smem:$0x3F9E] =	sst s9;
	s0 =	simm.s32 @!p0 $0x0  }
0x12: {  	s1 =	sld [smem:$0x3F84];
	s0 =	simm.s32 @p0 $0x1  }
0x13: {  	[smem:$0x3F9F] =	sst s0;
	s0 =	simm.s32 @!p1 $0x0  }
0x14: {  	s2 =	sld [smem:$0x3F83];
	s0 =	simm.s32 @p1 $0x1  }
0x15: {  	[smem:$0x3FA0] =	sst s0;
	s0 =	simm.s32 @!p2 $0x0  }
0x16: {  	s3 =	sld [smem:$0x3FDB];
	s0 =	simm.s32 @p2 $0x1  }
0x17: {  	s4 =	simm.s32 $0x1BF5;
	[smem:$0x3FA2] =	sst s0  }
0x18: {  	s0 =	sld [smem:$0x3F85];
	_ =	swait.ge [sflag:s4], $0x0  }
0x19: {  	s7 =	sld [smem:$0x3F86]  }
0x1a: {  	s8 =	sadd.s32 $0xFFFFE003, lr  }
0x1b: {  	s9 =	sadd.s32 $0xFFFFFEF7, lr;
	s5 =	simm.s32 $0xFFFFFFFF;
	p2 =	slt.u32 s8, $0xFFFFF086  }
0x1c: {  	p1 =	slt.u32 s9, $0xF7A;
	s5 =	simm.s32 @!p2 $0x0  }
0x1d: {  	s5 =	simm.s32 @p1 $0x1;
	p0 =	seq.s32 s7, s2  }
0x1e: {  	s7 =	smul.u32 @!p0 $0xF7A, s2;
	p2 =	seq.s32 @!p0 s5, $0x0  }
0x1f: {  	s9 =	smul.u32 $0xF7A, s1;
	s8 =	simm.s32 @!p0 $0x1BF5;
	p2 =	por !p2, p0  }
0x20: {  	[sflag:s8] =	ssyncset.s32 @!p0 $0xFFFFF086;
	s6 =	sadd.s32 @!p0 s3, s7;
	s7 =	simm.s32 @!p0 $0x108  }
0x21: {  	s3 =	sadd.s32 s3, s9;
	s6 =	sadd.s32 @!p0 $0x88, s6;
	s7 =	simm.s32 @p2 $0x1082  }
0x22: {  	[simem:s7], [sflag:s8] =	dma.local @!p0 [hbm:s6], $0xF7A  }
0x23: {  	s9 =	sor.u32 $0xD0000000, s2;
	s6 =	simm.s32 $0x108;
	_ =	swait.ge @!p0 [sflag:s8], $0x0  }
0x24: {  	s3 =	sadd.s32 $0x88, s3;
	s6 =	simm.s32 @!p1 $0x1082;
	[sflag:s4] =	ssyncset.s32 $0xFFFFF086  }
0x25: {  	[simem:s6], [sflag:s4] =	dma.local [hbm:s3], $0xF7A  }
0x26: {  	[smem:$0x3F86] =	sst s1;
	(tag) =	ssettag s2;
	_ =	strace s9  }
0x27: {  	s1 =	sld [smem:$0x3F96]  }
0x28: {  	s2 =	sld [smem:$0x3F97]  }
0x29: {  	s4 =	sld [smem:$0x3F99]  }
0x2a: {  	p0 =	seq.s32 s5, $0x0;
	s5 =	sld [smem:$0x3F9A]  }
0x2b: {  	s6 =	sld [smem:$0x3F9B]  }
0x2c: {  	s7 =	sld [smem:$0x3F9C]  }
0x2d: {  	s3 =	simm.s32 $0x108;
	s8 =	sld [smem:$0x3F9D]  }
0x2e: {  	s3 =	simm.s32 @!p0 $0x1082;
	s9 =	sld [smem:$0x3F9E]  }
0x2f: {  	lr =	sadd.s32 s0, s3;
	s0 =	sld [smem:$0x3F95]  }
0x30: {  	s3 =	sld [smem:$0x3F98]  }
0x31: {  	[smem:$0x3FA1] =	sst s10  }
0x32: {  	s10 =	sld [smem:$0x3F9F];
	_ =	sdelay $0x3  }
0x33: {  	p0 =	seq.s32 s10, $0x1;
	s10 =	sld [smem:$0x3FA1];
	_ =	sdelay $0x3  }
0x34: {  	[smem:$0x3FA1] =	sst s10  }
0x35: {  	s10 =	sld [smem:$0x3FA0];
	_ =	sdelay $0x3  }
0x36: {  	p1 =	seq.s32 s10, $0x1;
	s10 =	sld [smem:$0x3FA1];
	_ =	sdelay $0x3  }
0x37: {  	[smem:$0x3FA1] =	sst s10  }
0x38: {  	s10 =	sld [smem:$0x3FA2]  }
0x39: {  	_ = 	snop;
	(pc) =	sbr.ind lr, $3  }
0x3a: {  	_ = 	snop  }
0x3b: {  	_ = 	snop  }
0x3c: {  	p2 =	seq.s32 s10, $0x1;
	s10 =	sld [smem:$0x3FA1]  }
0x3d: {  	_ =	shalt  }
0x3e: {  	_ =	shalt  }
0x3f: {  	_ =	shalt  }
0x40: {  	_ =	shalt  }
0x41: {  	_ =	shalt  }
0x42: {  	_ =	shalt  }
0x43: {  	_ =	shalt  }
0x44: {  	_ =	shalt  }
0x45: {  	_ =	shalt  }
0x46: {  	_ =	shalt  }
0x47: {  	_ =	shalt  }
0x48: {  	_ =	shalt  }
0x49: {  	_ =	shalt  }
0x4a: {  	_ =	shalt  }
0x4b: {  	_ =	shalt  }
0x4c: {  	_ =	shalt  }
0x4d: {  	_ =	shalt  }
0x4e: {  	_ =	shalt  }
0x4f: {  	_ =	shalt  }
0x50: {  	_ =	shalt  }
0x51: {  	_ =	shalt  }
0x52: {  	_ =	shalt  }
0x53: {  	_ =	shalt  }
0x54: {  	_ =	shalt  }
0x55: {  	_ =	shalt  }
0x56: {  	_ =	shalt  }
0x57: {  	_ =	shalt  }
0x58: {  	_ =	shalt  }
0x59: {  	_ =	shalt  }
0x5a: {  	_ =	shalt  }
0x5b: {  	_ =	shalt  }
0x5c: {  	_ =	shalt  }
0x5d: {  	_ =	shalt  }
0x5e: {  	_ =	shalt  }
0x5f: {  	_ =	shalt  }
0x60: {  	_ =	shalt  }
0x61: {  	_ =	shalt  }
0x62: {  	_ =	shalt  }
0x63: {  	_ =	shalt  }
0x64: {  	_ =	shalt  }
0x65: {  	_ =	shalt  }
0x66: {  	_ =	shalt  }
0x67: {  	_ =	shalt  }
0x68: {  	_ =	shalt  }
0x69: {  	_ =	shalt  }
0x6a: {  	_ =	shalt  }
0x6b: {  	_ =	shalt  }
0x6c: {  	_ =	shalt  }
0x6d: {  	_ =	shalt  }
0x6e: {  	_ =	shalt  }
0x6f: {  	_ =	shalt  }
0x70: {  	_ =	shalt  }
0x71: {  	_ =	shalt  }
0x72: {  	_ =	shalt  }
0x73: {  	_ =	shalt  }
0x74: {  	_ =	shalt  }
0x75: {  	_ =	shalt  }
0x76: {  	_ =	shalt  }
0x77: {  	_ =	shalt  }
0x78: {  	_ =	shalt  }
0x79: {  	_ =	shalt  }
0x7a: {  	_ =	shalt  }
0x7b: {  	_ =	shalt  }
0x7c: {  	_ =	shalt  }
0x7d: {  	_ =	shalt  }
0x7e: {  	_ =	shalt  }
0x7f: {  	_ =	shalt  }
0x80: {  	_ =	shalt  }
0x81: {  	_ =	shalt  }
0x82: {  	_ =	shalt  }
0x83: {  	_ =	shalt  }
0x84: {  	_ =	shalt  }
0x85: {  	_ =	shalt  }
0x86: {  	_ =	shalt  }
0x87: {  	_ =	shalt  }
.Lfunc_end0:
.L_simem_size_0:
called_computation.2_lowered:
.L_overlay_start_0:
0x88: {  	s2 =	sld [smem:$0x3FD9]  }
0x89: {  	s3 =	sld [smem:$0x3FFE];
	_ =	sdelay $0x1  }
0x8a: {  	s1 =	srdreg.scid  }
0x8b: {  	s0 =	sand.u32 $0x1, s1  }
0x8c: {  	s16 =	sshll.u32 s0, $0xA;
	s2 =	sadd.s32 s3, s2  }
0x8d: {  	s2 =	sadd.s32 s2, s16  }
0x8e: {  	[smem:$0x3FAD] =	sst s2  }
0x8f: {  	_ = 	snop  }
0x90: {  	(tm) =	ssettm $0x1  }
0x91: {  	s17 =	sld [smem:$0x3FFB];
	_ =	sdelay $0x3  }
0x92: {  	_ =	strace s17  }
0x93: {  	s2 =	sld [smem:$0x3FFC];
	_ =	sdelay $0x3  }
0x94: {  	_ =	strace s2  }
0x95: {  	s2 =	sld [smem:$0x3FFD];
	_ =	sdelay $0x3  }
0x96: {  	_ =	strace s2  }
0x97: {  	_ =	strace $0x8FFFFFFF  }
0x98: {  	s18 =	sld [smem:$0x3FDB];
	_ =	sdelay $0x1  }
0x99: {  	s19 =	simm.s32 $_scs_section_size  }
0x9a: {  	s4 =	simm.s32 $_size__tile_overlayer_lowered;
	s5 =	simm.s32 $_tile_overlayer_lowered  }
0x9b: {  	s22 =	simm.s32 $0x1BFF;
	s21 =	sshll.u32 s5, $0x1;
	s2 =	sadd.s32 s19, s18  }
0x9c: {  	s6 =	simm.s32 $0x0;
	s20 =	sshll.u32 s4, $0x1;
	s4 =	sadd.s32 s21, s2  }
0x9d: {  	[timem:s6], [sflag:s22] =	dma.local [hbm:s4], s20  }
0x9e: {  	_ =	swait.ge [sflag:s22], s20  }
0x9f: {  	s3 =	ssub.s32 $0x0, s20;
	[sflag:s22] =	ssyncset.done $0x0  }
0xa0: {  	[sflag:s22] =	ssyncadd.s32 s3;
	_ =	sdelay $0x1  }
0xa1: {  	s23 =	simm.s32 $0x1B8B  }
0xa2: {  	_ =	swait.ge [sflag:s23], $0x1  }
0xa3: {  	[sflag:s23] =	ssyncset.done $0x0  }
0xa4: {  	s25 =	simm.s32 $0x1B8E;
	s24 =	sld [smem:$0x3FFE];
	[sflag:s23] =	ssyncadd.s32 $0xFFFFFFFF  }
0xa5: {  	s26 =	simm.s32 $execute0_lowered;
	[smem:$0x3FD2] =	sst s25  }
0xa6: {  	s4 =	sshll.u32 s26, $0x1;
	_ =	strace $0x8000004C;
	[dreg:$0x1] =	wrdreg $0xFFFFFFFF  }
0xa7: {  	s28 =	simm.s32 $_size_execute0_lowered;
	s2 =	sadd.s32 s2, s4;
	[dreg:$0x0] =	wrdreg $0x0  }
0xa8: {  	s4 =	sshll.u32 s28, $0x1;
	[dreg:$0x2] =	wrdreg s2  }
0xa9: {  	[dreg:$0x3] =	wrdreg s4  }
0xaa: {  	[dreg:$0x4] =	wrdreg $0xC0  }
0xab: {  	_ =	task [dreg:s6], $0x5FFFF  }
0xac: {  	[dreg:$0x1] =	wrdreg $0xFFFFFFFF  }
0xad: {  	[dreg:$0x0] =	wrdreg $0x60  }
0xae: {  	[dreg:$0x2] =	wrdreg s24  }
0xaf: {  	[dreg:$0x3] =	wrdreg $0x9  }
0xb0: {  	_ =	task.clear_ibuf [dreg:s6], $0x4FFFF;
	_ =	strace $0x9000004C  }
0xb1: {  	s29 =	simm.s32 $0x9;
	_ =	strace $0x8000004E  }
0xb2: {  	_ =	swait.ge [sflag:s29], $0x1  }
0xb3: {  	[sflag:s29] =	ssyncadd.s32 $0xFFFFFFFF  }
0xb4: {  	_ =	strace $0x9000004E  }
0xb5: {  	_ =	sfence  }
0xb6: {  	s30 =	sld [smem:$0x0];
	_ =	sdelay $0x2  }
0xb7: {  	s31 =	sshll.u32 s1, $0xD;
	s1 =	sshrl.u32 s1, $0x2  }
0xb8: {  	s3 =	sand.u32 $0x4000, s31;
	s1 =	sadd.s32 s1, s30  }
0xb9: {  	s0 =	sor.u32 s3, s0;
	s1 =	sshll.u32 s1, $0x11  }
0xba: {  	s0 =	sor.u32 s1, s0  }
0xbb: {  	s0 =	sadd.s32 $0x8F2B, s0  }
0xbc: {  	[sflag:s0] =	ssyncadd.remote.s32 $0x1  }
0xbd: {  	_ =	sfence.sel $0xFFFF  }
0xbe: {  	[dreg:$0x0] =	wrdreg $0xFFFFFFFF;
	(pc) =	sbr.abs _section_cstart, $3  }
0xbf: {  	[dreg:$0x1] =	wrdreg $0xFFFFFFFF  }
0xc0: {  	_ =	task.clear_ibuf [dreg:s6], $0x2FFFF;
	_ =	strace $0x9FFFFFFF  }
0xc1: {  	(tm) =	ssettm $0x7FFFFFFF  }
tec
execute0_lowered:
.L_overlay_start_1:
0x0: {  	(tag) =	ssettag $0x1  }
0x1: {  	s1 =	srdreg.scid  }
0x2: {  	s0 =	stileid.u32;
	s4 =	rddreg [dreg:$0x0];
	s2 =	simm.s32 $0x0  }
0x3: {  	s10 =	simm.s32 $0x310;
	s11 =	simm.s32 $0x380;
	s6 =	smul.u32 $0xC400, s0  }
0x4: {  	s12 =	simm.s32 $0x1;
	s5 =	sand.u32 $0x1, s1;
	s8 =	smul.u32 $0xC4000, s0  }
0x5: {  	s13 =	simm.s32 $0x0;
	s1 =	rddreg [dreg:$0x1];
	s7 =	smul.u32 $0x6200, s5  }
0x6: {  	[smem:$0x7FF] =	sst s2;
	s3 =	sadd.s32 $0xFE200, s4;
	s9 =	smul.u32 $0x62000, s5  }
0x7: {  	_ =	strace $0x8000004D;
	s5 =	ssub.s32 $0x2, s5;
	s29 =	sadd.s32 s8, s4  }
0x8: {  	s30 =	sshrl.u32 s5, $0x1;
	s6 =	sadd.s32 s7, s6;
	s7 =	sadd.s32 s9, s29  }
0x9: {  	s5 =	ssub.s32 s5, s30;
	s9 =	simm.s32 $0x2;
	s6 =	sshrl.u32 s6, $0x3  }
0xa: {  	s5 =	smax.u32 s5, $0x1;
	s31 =	sadd.s32 s6, s4;
	s4 =	sadd.s32 $0x1C6200, s7  }
0xb: {  	s6 =	sadd.s32 $0xE06200, s7;
	s7 =	sadd.s32 $0x1DA00, s31;
	s8 =	sadd.s32 $0x5200, s31  }
.LBB2_1:
0xc: {  	s14 =	sadd.s32 $0x0, s8  }
0xd: {  	[tilespmem:s2], [sflag:$0x2] =	stream.linear.gather [hbm4b:s14+s2], $0x310, $0x38;
	[tilespmem:$0x18B80] =	vst v63  }
0xe: {  	_ =	swait.ge [sflag:s9], $0x310  }
0xf: {  	[sflag:s9] =	ssyncset.done $0x0  }
0x10: {  	[sflag:s9] =	ssyncadd.s32 $0xFFFFFCF0  }
0x11: {  	[tilespmem:s11], [sflag:$0x1] =	stream.indirect.gather [hbm4b:s3+s10], $0x80, s2, s10, $0xb8;
	[tilespmem:$0x18B80] =	vst v63  }
0x12: {  	_ =	swait.ge [sflag:s12], $0x18800  }
0x13: {  	[sflag:s12] =	ssyncset.done $0x0  }
0x14: {  	[sflag:s12] =	ssyncadd.s32 $0xFFFE7800  }
0x15: {  	[hbm4b:s4+s2] =	stream.linear.scatter [tilespmem:s11], [sflag:$0x2], $0x18800, $0x38;
	[tilespmem:$0x18B80] =	vst v63  }
0x16: {  	_ =	swait.ge [sflag:s9], $0x18800  }
0x17: {  	[sflag:s9] =	ssyncset.done $0x0  }
0x18: {  	s31 =	sadd.s32 $0x0, s7;
	[sflag:s9] =	ssyncadd.s32 $0xFFFE7800  }
0x19: {  	[tilespmem:s2], [sflag:$0x2] =	stream.linear.gather [hbm4b:s31+s2], $0x310, $0x38;
	[tilespmem:$0x18B80] =	vst v63  }
0x1a: {  	_ =	swait.ge [sflag:s9], $0x310  }
0x1b: {  	[sflag:s9] =	ssyncset.done $0x0  }
0x1c: {  	[sflag:s9] =	ssyncadd.s32 $0xFFFFFCF0  }
0x1d: {  	[tilespmem:s11], [sflag:$0x1] =	stream.indirect.gather [hbm4b:s3+s10], $0x80, s2, s10, $0xb8;
	[tilespmem:$0x18B80] =	vst v63  }
0x1e: {  	_ =	swait.ge [sflag:s12], $0x18800  }
0x1f: {  	[sflag:s12] =	ssyncset.done $0x0  }
0x20: {  	[sflag:s12] =	ssyncadd.s32 $0xFFFE7800  }
0x21: {  	[hbm4b:s6+s2] =	stream.linear.scatter [tilespmem:s11], [sflag:$0x2], $0x18800, $0x38;
	[tilespmem:$0x18B80] =	vst v63  }
0x22: {  	s15 =	simm.s32 $0x62;
	s17 =	simm.s32 $0xC4;
	_ =	swait.ge [sflag:s9], $0x18800  }
0x23: {  	s16 =	sadd.s32 $0x3100, s4;
	s14 =	sadd.s32 $0x3100, s6;
	[sflag:s9] =	ssyncset.done $0x0  }
.LBB2_2:
0x24: {  	s18 =	sadd.s32 s15, s8  }
0x25: {  	[sflag:s9] =	ssyncadd.s32 $0xFFFE7800;
	s19 =	smov.u32 s17;
	s20 =	sadd.s32 $0x62, s17  }
0x26: {  	[tilespmem:s2], [sflag:$0x2] =	stream.linear.gather [hbm4b:s18+s2], $0x310, $0x38;
	[tilespmem:$0x18B80] =	vst v63  }
0x27: {  	p0 =	sne.s32 s17, $0xBDE;
	_ =	swait.ge [sflag:s9], $0x310  }
0x28: {  	[sflag:s9] =	ssyncset.done $0x0  }
0x29: {  	[sflag:s9] =	ssyncadd.s32 $0xFFFFFCF0  }
0x2a: {  	[tilespmem:s11], [sflag:$0x1] =	stream.indirect.gather [hbm4b:s3+s10], $0x80, s2, s10, $0xb8;
	[tilespmem:$0x18B80] =	vst v63  }
0x2b: {  	_ =	swait.ge [sflag:s12], $0x18800  }
0x2c: {  	[sflag:s12] =	ssyncset.done $0x0  }
0x2d: {  	[sflag:s12] =	ssyncadd.s32 $0xFFFE7800  }
0x2e: {  	[hbm4b:s16+s2] =	stream.linear.scatter [tilespmem:s11], [sflag:$0x2], $0x18800, $0x38;
	[tilespmem:$0x18B80] =	vst v63  }
0x2f: {  	_ =	swait.ge [sflag:s9], $0x18800  }
0x30: {  	[sflag:s9] =	ssyncset.done $0x0  }
0x31: {  	s17 =	sadd.s32 s15, s7;
	s15 =	smov.u32 s19;
	[sflag:s9] =	ssyncadd.s32 $0xFFFE7800  }
0x32: {  	[tilespmem:s2], [sflag:$0x2] =	stream.linear.gather [hbm4b:s17+s2], $0x310, $0x38;
	[tilespmem:$0x18B80] =	vst v63  }
0x33: {  	_ =	swait.ge [sflag:s9], $0x310  }
0x34: {  	[sflag:s9] =	ssyncset.done $0x0  }
0x35: {  	[sflag:s9] =	ssyncadd.s32 $0xFFFFFCF0  }
0x36: {  	[tilespmem:s11], [sflag:$0x1] =	stream.indirect.gather [hbm4b:s3+s10], $0x80, s2, s10, $0xb8;
	[tilespmem:$0x18B80] =	vst v63  }
0x37: {  	_ =	swait.ge [sflag:s12], $0x18800  }
.Ltmp0:
0x38: {  	[sflag:s12] =	ssyncset.done $0x0;
	(pc) =	sbr.rel @p0 .LBB2_2-.Ltmp0, $4  }
0x39: {  	[sflag:s12] =	ssyncadd.s32 $0xFFFE7800  }
0x3a: {  	[hbm4b:s14+s2] =	stream.linear.scatter [tilespmem:s11], [sflag:$0x2], $0x18800, $0x38;
	[tilespmem:$0x18B80] =	vst v63  }
0x3b: {  	s16 =	sadd.s32 $0x3100, s16;
	_ =	swait.ge [sflag:s9], $0x18800  }
0x3c: {  	s17 =	smov.u32 s20;
	s14 =	sadd.s32 $0x3100, s14;
	[sflag:s9] =	ssyncset.done $0x0  }
0x3d: {  	s17 =	sadd.s32 s15, s8;
	[sflag:s9] =	ssyncadd.s32 $0xFFFE7800  }
0x3e: {  	[tilespmem:s2], [sflag:$0x2] =	stream.linear.gather [hbm4b:s17+s2], $0x310, $0x38;
	[tilespmem:$0x18B80] =	vst v63  }
0x3f: {  	_ =	swait.ge [sflag:s9], $0x310  }
0x40: {  	[sflag:s9] =	ssyncset.done $0x0  }
0x41: {  	[sflag:s9] =	ssyncadd.s32 $0xFFFFFCF0  }
0x42: {  	[tilespmem:s11], [sflag:$0x1] =	stream.indirect.gather [hbm4b:s3+s10], $0x80, s2, s10, $0xb8;
	[tilespmem:$0x18B80] =	vst v63  }
0x43: {  	_ =	swait.ge [sflag:s12], $0x18800  }
0x44: {  	[sflag:s12] =	ssyncset.done $0x0  }
0x45: {  	[sflag:s12] =	ssyncadd.s32 $0xFFFE7800  }
0x46: {  	[hbm4b:s16+s2] =	stream.linear.scatter [tilespmem:s11], [sflag:$0x2], $0x18800, $0x38;
	[tilespmem:$0x18B80] =	vst v63  }
0x47: {  	_ =	swait.ge [sflag:s9], $0x18800  }
0x48: {  	[sflag:s9] =	ssyncset.done $0x0  }
0x49: {  	s31 =	sadd.s32 s15, s7;
	[sflag:s9] =	ssyncadd.s32 $0xFFFE7800  }
0x4a: {  	[tilespmem:s2], [sflag:$0x2] =	stream.linear.gather [hbm4b:s31+s2], $0x310, $0x38;
	[tilespmem:$0x18B80] =	vst v63  }
0x4b: {  	_ =	swait.ge [sflag:s9], $0x310  }
0x4c: {  	[sflag:s9] =	ssyncset.done $0x0  }
0x4d: {  	[sflag:s9] =	ssyncadd.s32 $0xFFFFFCF0  }
0x4e: {  	[tilespmem:s11], [sflag:$0x1] =	stream.indirect.gather [hbm4b:s3+s10], $0x80, s2, s10, $0xb8;
	[tilespmem:$0x18B80] =	vst v63  }
0x4f: {  	s13 =	sadd.s32 $0x1, s13;
	_ =	swait.ge [sflag:s12], $0x18800  }
0x50: {  	p0 =	sne.s32 s13, s5;
	[sflag:s12] =	ssyncset.done $0x0  }
.Ltmp1:
0x51: {  	[sflag:s12] =	ssyncadd.s32 $0xFFFE7800;
	(pc) =	sbr.rel @p0 .LBB2_1-.Ltmp1, $4  }
0x52: {  	[hbm4b:s14+s2] =	stream.linear.scatter [tilespmem:s11], [sflag:$0x2], $0x18800, $0x38;
	[tilespmem:$0x18B80] =	vst v63  }
0x53: {  	_ =	swait.ge [sflag:s9], $0x18800  }
0x54: {  	[sflag:s9] =	ssyncset.done $0x0  }
0x55: {  	[sflag:s9] =	ssyncadd.s32 $0xFFFE7800  }
0x56: {  	_ =	sfence.sel $0x180000  }
0x57: {  	[bflag:$0x0] =	sbarrier.arrive $0xFFFF  }
0x58: {  	p0 =	sne.s32 s0, $0x0;
	_ =	strace $0x9000004D  }
0x59: {  	s0 =	sadd.s32 @!p0 $0x100000, s1;
	[bflag:$0x2] =	sbarrier.arrive $0xFFFF  }
0x5a: {  	[sflag:s0] =	ssyncadd.tile.s32 @!p0 $0x1;
	_ =	shalt  }
.Lfunc_end2:
_tile_overlayer_lowered:
.L_overlay_start_2:
0x5b: {  	(tag) =	ssettag $0x2  }
0x5c: {  	s0 =	rddreg [dreg:$0x0];
	s2 =	stileid.u32  }
0x5d: {  	s1 =	rddreg [dreg:$0x1];
	p0 =	sne.s32 s2, $0x0  }
0x5e: {  	s3 =	rddreg [dreg:$0x2];
	[bflag:$0x3] =	sbarrier.arrive $0xFFFF;
	s2 =	simm.s32 @!p0 $0x1C02  }
0x5f: {  	[timem:s3], [sflag:s2] =	dma.local @!p0 [hbm:s0], s1  }
0x60: {  	s0 =	simm.s32 @!p0 $0x2  }
0x61: {  	_ =	swait.ge @!p0 [sflag:s0], s1  }
0x62: {  	s1 =	ssub.s32 @!p0 $0x0, s1;
	[sflag:s0] =	ssyncset.done @!p0 $0x0  }
0x63: {  	[sflag:s0] =	ssyncadd.s32 @!p0 s1  }
0x64: {  	[bflag:$0x3] =	sbarrier.arrive $0xFFFF  }
0x65: {  	_ =	shalt  }

// kernel: kernel.19.cloned.1.call-start
scs
__scs_entry_jumppad:
0x0: {  	(pc) =	sbr.rel $0x88, $3  }
0x1: {  	(tag) =	ssettag $0x0;
	lr =	simm.s32 $0x1  }
0x2: {  	[smem:$0x3F86] =	sst lr;
	_ =	strace $0xD0000000  }
0x3: {  	_ = 	snop  }
0x4: {  	_ = 	snop  }
0x5: {  	_ = 	snop  }
0x6: {  	_ = 	snop  }
0x7: {  	_ = 	snop  }
__scs_overlays_trampoline_lowered:
0x8: {  	[smem:$0x3F95] =	sst s0  }
0x9: {  	[smem:$0x3F96] =	sst s1  }
0xa: {  	[smem:$0x3F97] =	sst s2  }
0xb: {  	[smem:$0x3F98] =	sst s3  }
0xc: {  	[smem:$0x3F99] =	sst s4  }
0xd: {  	[smem:$0x3F9A] =	sst s5  }
0xe: {  	[smem:$0x3F9B] =	sst s6  }
0xf: {  	[smem:$0x3F9C] =	sst s7  }
0x10: {  	[smem:$0x3F9D] =	sst s8  }
0x11: {  	[smem:$0x3F9E] =	sst s9;
	s0 =	simm.s32 @!p0 $0x0  }
0x12: {  	s1 =	sld [smem:$0x3F84];
	s0 =	simm.s32 @p0 $0x1  }
0x13: {  	[smem:$0x3F9F] =	sst s0;
	s0 =	simm.s32 @!p1 $0x0  }
0x14: {  	s2 =	sld [smem:$0x3F83];
	s0 =	simm.s32 @p1 $0x1  }
0x15: {  	[smem:$0x3FA0] =	sst s0;
	s0 =	simm.s32 @!p2 $0x0  }
0x16: {  	s3 =	sld [smem:$0x3FDB];
	s0 =	simm.s32 @p2 $0x1  }
0x17: {  	s4 =	simm.s32 $0x1BF5;
	[smem:$0x3FA2] =	sst s0  }
0x18: {  	s0 =	sld [smem:$0x3F85];
	_ =	swait.ge [sflag:s4], $0x0  }
0x19: {  	s7 =	sld [smem:$0x3F86]  }
0x1a: {  	s8 =	sadd.s32 $0xFFFFE003, lr  }
0x1b: {  	s9 =	sadd.s32 $0xFFFFFEF7, lr;
	s5 =	simm.s32 $0xFFFFFFFF;
	p2 =	slt.u32 s8, $0xFFFFF086  }
0x1c: {  	p1 =	slt.u32 s9, $0xF7A;
	s5 =	simm.s32 @!p2 $0x0  }
0x1d: {  	s5 =	simm.s32 @p1 $0x1;
	p0 =	seq.s32 s7, s2  }
0x1e: {  	s7 =	smul.u32 @!p0 $0xF7A, s2;
	p2 =	seq.s32 @!p0 s5, $0x0  }
0x1f: {  	s9 =	smul.u32 $0xF7A, s1;
	s8 =	simm.s32 @!p0 $0x1BF5;
	p2 =	por !p2, p0  }
0x20: {  	[sflag:s8] =	ssyncset.s32 @!p0 $0xFFFFF086;
	s6 =	sadd.s32 @!p0 s3, s7;
	s7 =	simm.s32 @!p0 $0x108  }
0x21: {  	s3 =	sadd.s32 s3, s9;
	s6 =	sadd.s32 @!p0 $0x88, s6;
	s7 =	simm.s32 @p2 $0x1082  }
0x22: {  	[simem:s7], [sflag:s8] =	dma.local @!p0 [hbm:s6], $0xF7A  }
0x23: {  	s9 =	sor.u32 $0xD0000000, s2;
	s6 =	simm.s32 $0x108;
	_ =	swait.ge @!p0 [sflag:s8], $0x0  }
0x24: {  	s3 =	sadd.s32 $0x88, s3;
	s6 =	simm.s32 @!p1 $0x1082;
	[sflag:s4] =	ssyncset.s32 $0xFFFFF086  }
0x25: {  	[simem:s6], [sflag:s4] =	dma.local [hbm:s3], $0xF7A  }
0x26: {  	[smem:$0x3F86] =	sst s1;
	(tag) =	ssettag s2;
	_ =	strace s9  }
0x27: {  	s1 =	sld [smem:$0x3F96]  }
0x28: {  	s2 =	sld [smem:$0x3F97]  }
0x29: {  	s4 =	sld [smem:$0x3F99]  }
0x2a: {  	p0 =	seq.s32 s5, $0x0;
	s5 =	sld [smem:$0x3F9A]  }
0x2b: {  	s6 =	sld [smem:$0x3F9B]  }
0x2c: {  	s7 =	sld [smem:$0x3F9C]  }
0x2d: {  	s3 =	simm.s32 $0x108;
	s8 =	sld [smem:$0x3F9D]  }
0x2e: {  	s3 =	simm.s32 @!p0 $0x1082;
	s9 =	sld [smem:$0x3F9E]  }
0x2f: {  	lr =	sadd.s32 s0, s3;
	s0 =	sld [smem:$0x3F95]  }
0x30: {  	s3 =	sld [smem:$0x3F98]  }
0x31: {  	[smem:$0x3FA1] =	sst s10  }
0x32: {  	s10 =	sld [smem:$0x3F9F];
	_ =	sdelay $0x3  }
0x33: {  	p0 =	seq.s32 s10, $0x1;
	s10 =	sld [smem:$0x3FA1];
	_ =	sdelay $0x3  }
0x34: {  	[smem:$0x3FA1] =	sst s10  }
0x35: {  	s10 =	sld [smem:$0x3FA0];
	_ =	sdelay $0x3  }
0x36: {  	p1 =	seq.s32 s10, $0x1;
	s10 =	sld [smem:$0x3FA1];
	_ =	sdelay $0x3  }
0x37: {  	[smem:$0x3FA1] =	sst s10  }
0x38: {  	s10 =	sld [smem:$0x3FA2]  }
0x39: {  	_ = 	snop;
	(pc) =	sbr.ind lr, $3  }
0x3a: {  	_ = 	snop  }
0x3b: {  	_ = 	snop  }
0x3c: {  	p2 =	seq.s32 s10, $0x1;
	s10 =	sld [smem:$0x3FA1]  }
0x3d: {  	_ =	shalt  }
0x3e: {  	_ =	shalt  }
0x3f: {  	_ =	shalt  }
0x40: {  	_ =	shalt  }
0x41: {  	_ =	shalt  }
0x42: {  	_ =	shalt  }
0x43: {  	_ =	shalt  }
0x44: {  	_ =	shalt  }
0x45: {  	_ =	shalt  }
0x46: {  	_ =	shalt  }
0x47: {  	_ =	shalt  }
0x48: {  	_ =	shalt  }
0x49: {  	_ =	shalt  }
0x4a: {  	_ =	shalt  }
0x4b: {  	_ =	shalt  }
0x4c: {  	_ =	shalt  }
0x4d: {  	_ =	shalt  }
0x4e: {  	_ =	shalt  }
0x4f: {  	_ =	shalt  }
0x50: {  	_ =	shalt  }
0x51: {  	_ =	shalt  }
0x52: {  	_ =	shalt  }
0x53: {  	_ =	shalt  }
0x54: {  	_ =	shalt  }
0x55: {  	_ =	shalt  }
0x56: {  	_ =	shalt  }
0x57: {  	_ =	shalt  }
0x58: {  	_ =	shalt  }
0x59: {  	_ =	shalt  }
0x5a: {  	_ =	shalt  }
0x5b: {  	_ =	shalt  }
0x5c: {  	_ =	shalt  }
0x5d: {  	_ =	shalt  }
0x5e: {  	_ =	shalt  }
0x5f: {  	_ =	shalt  }
0x60: {  	_ =	shalt  }
0x61: {  	_ =	shalt  }
0x62: {  	_ =	shalt  }
0x63: {  	_ =	shalt  }
0x64: {  	_ =	shalt  }
0x65: {  	_ =	shalt  }
0x66: {  	_ =	shalt  }
0x67: {  	_ =	shalt  }
0x68: {  	_ =	shalt  }
0x69: {  	_ =	shalt  }
0x6a: {  	_ =	shalt  }
0x6b: {  	_ =	shalt  }
0x6c: {  	_ =	shalt  }
0x6d: {  	_ =	shalt  }
0x6e: {  	_ =	shalt  }
0x6f: {  	_ =	shalt  }
0x70: {  	_ =	shalt  }
0x71: {  	_ =	shalt  }
0x72: {  	_ =	shalt  }
0x73: {  	_ =	shalt  }
0x74: {  	_ =	shalt  }
0x75: {  	_ =	shalt  }
0x76: {  	_ =	shalt  }
0x77: {  	_ =	shalt  }
0x78: {  	_ =	shalt  }
0x79: {  	_ =	shalt  }
0x7a: {  	_ =	shalt  }
0x7b: {  	_ =	shalt  }
0x7c: {  	_ =	shalt  }
0x7d: {  	_ =	shalt  }
0x7e: {  	_ =	shalt  }
0x7f: {  	_ =	shalt  }
0x80: {  	_ =	shalt  }
0x81: {  	_ =	shalt  }
0x82: {  	_ =	shalt  }
0x83: {  	_ =	shalt  }
0x84: {  	_ =	shalt  }
0x85: {  	_ =	shalt  }
0x86: {  	_ =	shalt  }
0x87: {  	_ =	shalt  }
.Lfunc_end0:
.L_simem_size_0:
called_computation.3_lowered:
.L_overlay_start_0:
0x88: {  	s2 =	sld [smem:$0x3FD9]  }
0x89: {  	s3 =	sld [smem:$0x3FFE];
	_ =	sdelay $0x1  }
0x8a: {  	s1 =	srdreg.scid  }
0x8b: {  	s0 =	sand.u32 $0x1, s1  }
0x8c: {  	s16 =	sshll.u32 s0, $0xA;
	s2 =	sadd.s32 s3, s2  }
0x8d: {  	s2 =	sadd.s32 s2, s16  }
0x8e: {  	[smem:$0x3FAD] =	sst s2  }
0x8f: {  	_ = 	snop  }
0x90: {  	(tm) =	ssettm $0x1  }
0x91: {  	s17 =	sld [smem:$0x3FFB];
	_ =	sdelay $0x3  }
0x92: {  	_ =	strace s17  }
0x93: {  	s2 =	sld [smem:$0x3FFC];
	_ =	sdelay $0x3  }
0x94: {  	_ =	strace s2  }
0x95: {  	s2 =	sld [smem:$0x3FFD];
	_ =	sdelay $0x3  }
0x96: {  	_ =	strace s2  }
0x97: {  	_ =	strace $0x8FFFFFFF  }
0x98: {  	s18 =	sld [smem:$0x3FDB];
	_ =	sdelay $0x1  }
0x99: {  	s19 =	simm.s32 $_scs_section_size  }
0x9a: {  	s4 =	simm.s32 $_size__tile_overlayer_lowered;
	s5 =	simm.s32 $_tile_overlayer_lowered  }
0x9b: {  	s22 =	simm.s32 $0x1BFF;
	s21 =	sshll.u32 s5, $0x1;
	s2 =	sadd.s32 s19, s18  }
0x9c: {  	s6 =	simm.s32 $0x0;
	s20 =	sshll.u32 s4, $0x1;
	s4 =	sadd.s32 s21, s2  }
0x9d: {  	[timem:s6], [sflag:s22] =	dma.local [hbm:s4], s20  }
0x9e: {  	_ =	swait.ge [sflag:s22], s20  }
0x9f: {  	s3 =	ssub.s32 $0x0, s20;
	[sflag:s22] =	ssyncset.done $0x0  }
0xa0: {  	[sflag:s22] =	ssyncadd.s32 s3;
	_ =	sdelay $0x1  }
0xa1: {  	s23 =	simm.s32 $0x1B8B  }
0xa2: {  	_ =	swait.ge [sflag:s23], $0x1  }
0xa3: {  	[sflag:s23] =	ssyncset.done $0x0  }
0xa4: {  	s25 =	simm.s32 $0x1B8E;
	s24 =	sld [smem:$0x3FFE];
	[sflag:s23] =	ssyncadd.s32 $0xFFFFFFFF  }
0xa5: {  	s26 =	simm.s32 $execute0_lowered;
	[smem:$0x3FD2] =	sst s25  }
0xa6: {  	s4 =	sshll.u32 s26, $0x1;
	_ =	strace $0x8000004F;
	[dreg:$0x1] =	wrdreg $0xFFFFFFFF  }
0xa7: {  	s28 =	simm.s32 $_size_execute0_lowered;
	s2 =	sadd.s32 s2, s4;
	[dreg:$0x0] =	wrdreg $0x0  }
0xa8: {  	s4 =	sshll.u32 s28, $0x1;
	[dreg:$0x2] =	wrdreg s2  }
0xa9: {  	[dreg:$0x3] =	wrdreg s4  }
0xaa: {  	[dreg:$0x4] =	wrdreg $0xC0  }
0xab: {  	_ =	task [dreg:s6], $0x5FFFF  }
0xac: {  	[dreg:$0x1] =	wrdreg $0xFFFFFFFF  }
0xad: {  	[dreg:$0x0] =	wrdreg $0x60  }
0xae: {  	[dreg:$0x2] =	wrdreg s24  }
0xaf: {  	[dreg:$0x3] =	wrdreg $0x3B800  }
0xb0: {  	[dreg:$0x4] =	wrdreg $0x9  }
0xb1: {  	_ =	task.clear_ibuf [dreg:s6], $0x5FFFF;
	_ =	strace $0x9000004F  }
0xb2: {  	s29 =	simm.s32 $0x9;
	_ =	strace $0x80000051  }
0xb3: {  	_ =	swait.ge [sflag:s29], $0x1  }
0xb4: {  	[sflag:s29] =	ssyncadd.s32 $0xFFFFFFFF  }
0xb5: {  	_ =	strace $0x90000051  }
0xb6: {  	_ =	sfence  }
0xb7: {  	s30 =	sld [smem:$0x0];
	_ =	sdelay $0x2  }
0xb8: {  	s31 =	sshll.u32 s1, $0xD;
	s1 =	sshrl.u32 s1, $0x2  }
0xb9: {  	s3 =	sand.u32 $0x4000, s31;
	s1 =	sadd.s32 s1, s30  }
0xba: {  	s0 =	sor.u32 s3, s0;
	s1 =	sshll.u32 s1, $0x11  }
0xbb: {  	s0 =	sor.u32 s1, s0  }
0xbc: {  	s0 =	sadd.s32 $0x8F2B, s0  }
0xbd: {  	[sflag:s0] =	ssyncadd.remote.s32 $0x1  }
0xbe: {  	_ =	sfence.sel $0xFFFF  }
0xbf: {  	[dreg:$0x0] =	wrdreg $0xFFFFFFFF;
	(pc) =	sbr.abs _section_cstart, $3  }
0xc0: {  	[dreg:$0x1] =	wrdreg $0xFFFFFFFF  }
0xc1: {  	_ =	task.clear_ibuf [dreg:s6], $0x2FFFF;
	_ =	strace $0x9FFFFFFF  }
0xc2: {  	(tm) =	ssettm $0x7FFFFFFF  }
0xc3: {  	_ =	shalt  }
tec
execute0_lowered:
.L_overlay_start_1:
0x0: {  	(tag) =	ssettag $0x1  }
0x1: {  	s0 =	stileid.u32;
	s1 =	srdreg.scid  }
0x2: {  	s5 =	rddreg [dreg:$0x0];
	s4 =	smul.u32 $0x18800, s0  }
0x3: {  	s2 =	rddreg [dreg:$0x1];
	s3 =	simm.s32 $0x0;
	s7 =	smul.u32 $0xC400, s0  }
0x4: {  	s6 =	sand.u32 $0x1, s1;
	s1 =	rddreg [dreg:$0x2];
	s9 =	smul.u32 $0xC800, s0  }
0x5: {  	[smem:$0x7FF] =	sst s3;
	s30 =	sshll.u32 s0, $0x6;
	s8 =	smul.u32 $0x6200, s6  }
0x6: {  	s24 =	smul.u32 $0xC8000, s6;
	_ =	strace $0x80000050;
	s28 =	ssub.s32 $0x2, s6  }
0x7: {  	s13 =	smul.u32 $0xC400, s6;
	s10 =	sadd.s32 s4, s5;
	s26 =	sshrl.u32 s9, $0x3  }
0x8: {  	s29 =	sshrl.u32 s28, $0x1;
	s14 =	sadd.s32 s9, s2;
	s7 =	sadd.s32 s8, s7  }
0x9: {  	s25 =	sadd.s32 s9, s24;
	s8 =	ssub.s32 s28, s29;
	s31 =	sadd.s32 s13, s10  }
0xa: {  	s10 =	sshrl.u32 s14, $0x3;
	s13 =	simm.s32 $0x0;
	s7 =	sshrl.u32 s7, $0x3  }
0xb: {  	s4 =	sshrl.u32 s25, $0x3;
	s11 =	sadd.s32 s7, s5;
	s7 =	sadd.s32 s26, s5  }
0xc: {  	s12 =	sadd.s32 s4, s5;
	s5 =	sor.u32 $0x1C01, s30;
	s4 =	sadd.s32 $0x1A5A00, s7  }
0xd: {  	s6 =	sadd.s32 $0x1BEA00, s12;
	s7 =	smax.u32 s8, $0x1;
	s8 =	sadd.s32 $0x1DA00, s31  }
0xe: {  	s9 =	sadd.s32 $0x5200, s11;
	s11 =	simm.s32 $0x1;
	s12 =	simm.s32 $0x380  }
.LBB2_1:
0xf: {  	[spmem:s10], [sflag:s5] =	dma.local [hbm:s4], $0x1900  }
0x10: {  	_ =	swait.ge [sflag:s11], $0x1900  }
0x11: {  	[sflag:s11] =	ssyncset.done $0x0  }
0x12: {  	[sflag:s11] =	ssyncadd.s32 $0xFFFFE700  }
0x13: {  	s14 =	sadd.s32 $0x0, s9;
	[bflag:$0x0] =	sbarrier.arrive $0xFFFF  }
0x14: {  	[tilespmem:s3], [sflag:$0x1] =	stream.linear.gather [hbm4b:s14+s3], $0x380, $0x38;
	[tilespmem:$0x10380] =	vst v63  }
0x15: {  	_ =	swait.ge [sflag:s11], $0x380  }
0x16: {  	[sflag:s11] =	ssyncset.done $0x0  }
0x17: {  	[sflag:s11] =	ssyncadd.s32 $0xFFFFFC80  }
0x18: {  	[tilespmem:s12], [sflag:$0x1] =	stream.linear.gather [hbm4b:s8+s3], $0x3800, $0x38;
	[tilespmem:$0x10380] =	vst v63  }
0x19: {  	_ =	swait.ge [sflag:s11], $0x3800  }
0x1a: {  	[sflag:s11] =	ssyncset.done $0x0  }
0x1b: {  	[sflag:s11] =	ssyncadd.s32 $0xFFFFC800  }
0x1c: {  	[spmem:s2] =	stream.indirect.scatter.add.f32 [tilespmem:s12], [sflag:$0x1], $0x10, s3, s12, $0xb8;
	[tilespmem:$0x10380] =	vst v63  }
0x1d: {  	s15 =	simm.s32 $0x70;
	_ =	swait.ge [sflag:s11], $0x3800  }
0x1e: {  	s16 =	simm.s32 $0xE0;
	s14 =	sadd.s32 $0x700, s8;
	[sflag:s11] =	ssyncset.done $0x0  }
.LBB2_2:
0x1f: {  	s17 =	sadd.s32 s15, s9  }
0x20: {  	[sflag:s11] =	ssyncadd.s32 $0xFFFFC800;
	s15 =	smov.u32 s16;
	s18 =	sadd.s32 $0x70, s16  }
0x21: {  	[tilespmem:s3], [sflag:$0x1] =	stream.linear.gather [hbm4b:s17+s3], $0x380, $0x38;
	[tilespmem:$0x10380] =	vst v63  }
0x22: {  	p0 =	sne.s32 s16, $0xBD0;
	_ =	swait.ge [sflag:s11], $0x380  }
0x23: {  	[sflag:s11] =	ssyncset.done $0x0  }
0x24: {  	[sflag:s11] =	ssyncadd.s32 $0xFFFFFC80  }
0x25: {  	[tilespmem:s12], [sflag:$0x1] =	stream.linear.gather [hbm4b:s14+s3], $0x3800, $0x38;
	[tilespmem:$0x10380] =	vst v63  }
0x26: {  	_ =	swait.ge [sflag:s11], $0x3800  }
.Ltmp0:
0x27: {  	[sflag:s11] =	ssyncset.done $0x0;
	(pc) =	sbr.rel @p0 .LBB2_2-.Ltmp0, $4  }
0x28: {  	[sflag:s11] =	ssyncadd.s32 $0xFFFFC800  }
0x29: {  	[spmem:s2] =	stream.indirect.scatter.add.f32 [tilespmem:s12], [sflag:$0x1], $0x10, s3, s12, $0xb8;
	[tilespmem:$0x10380] =	vst v63  }
0x2a: {  	_ =	swait.ge [sflag:s11], $0x3800  }
0x2b: {  	s16 =	smov.u32 s18;
	s14 =	sadd.s32 $0x700, s14;
	[sflag:s11] =	ssyncset.done $0x0  }
0x2c: {  	s15 =	sadd.s32 s15, s9;
	[sflag:s11] =	ssyncadd.s32 $0xFFFFC800  }
0x2d: {  	[tilespmem:s3], [sflag:$0x1] =	stream.linear.gather [hbm4b:s15+s3], $0x380, $0x38;
	[tilespmem:$0x10380] =	vst v63  }
0x2e: {  	_ =	swait.ge [sflag:s11], $0x380  }
0x2f: {  	[sflag:s11] =	ssyncset.done $0x0  }
0x30: {  	[sflag:s11] =	ssyncadd.s32 $0xFFFFFC80  }
0x31: {  	[tilespmem:s12], [sflag:$0x1] =	stream.linear.gather [hbm4b:s14+s3], $0x3800, $0x38;
	[tilespmem:$0x10380] =	vst v63  }
0x32: {  	_ =	swait.ge [sflag:s11], $0x3800  }
0x33: {  	[sflag:s11] =	ssyncset.done $0x0  }
0x34: {  	[sflag:s11] =	ssyncadd.s32 $0xFFFFC800  }
0x35: {  	[spmem:s2] =	stream.indirect.scatter.add.f32 [tilespmem:s12], [sflag:$0x1], $0x10, s3, s12, $0xb8;
	[tilespmem:$0x10380] =	vst v63  }
0x36: {  	_ =	swait.ge [sflag:s11], $0x3800  }
0x37: {  	s13 =	sadd.s32 $0x1, s13;
	[sflag:s11] =	ssyncset.done $0x0  }
0x38: {  	p0 =	sne.s32 s13, s7;
	[sflag:s11] =	ssyncadd.s32 $0xFFFFC800  }
.Ltmp1:
0x39: {  	[bflag:$0x0] =	sbarrier.arrive $0xFFFF;
	(pc) =	sbr.rel @p0 .LBB2_1-.Ltmp1, $4  }
0x3a: {  	[hbm:s6], [sflag:s5] =	dma.local [spmem:s10], $0x1900  }
0x3b: {  	_ =	swait.ge [sflag:s11], $0x1900  }
0x3c: {  	[sflag:s11] =	ssyncset.done $0x0  }
0x3d: {  	[sflag:s11] =	ssyncadd.s32 $0xFFFFE700  }
0x3e: {  	_ =	sfence.sel $0x180000  }
0x3f: {  	[bflag:$0x0] =	sbarrier.arrive $0xFFFF  }
0x40: {  	p0 =	sne.s32 s0, $0x0;
	_ =	strace $0x90000050  }
0x41: {  	s0 =	sadd.s32 @!p0 $0x100000, s1;
	[bflag:$0x2] =	sbarrier.arrive $0xFFFF  }
0x42: {  	[sflag:s0] =	ssyncadd.tile.s32 @!p0 $0x1;
	_ =	shalt  }
.Lfunc_end2:
_tile_overlayer_lowered:
.L_overlay_start_2:
0x43: {  	(tag) =	ssettag $0x2  }
0x44: {  	s0 =	rddreg [dreg:$0x0];
	s2 =	stileid.u32  }
0x45: {  	s1 =	rddreg [dreg:$0x1];
	p0 =	sne.s32 s2, $0x0  }
0x46: {  	s3 =	rddreg [dreg:$0x2];
	[bflag:$0x3] =	sbarrier.arrive $0xFFFF;
	s2 =	simm.s32 @!p0 $0x1C01  }
0x47: {  	[timem:s3], [sflag:s2] =	dma.local @!p0 [hbm:s0], s1  }
0x48: {  	s0 =	simm.s32 @!p0 $0x1  }
0x49: {  	_ =	swait.ge @!p0 [sflag:s0], s1  }
0x4a: {  	s1 =	ssub.s32 @!p0 $0x0, s1;
	[sflag:s0] =	ssyncset.done @!p0 $0x0  }
0x4b: {  	[sflag:s0] =	ssyncadd.s32 @!p0 s1  }
0x4c: {  	[bflag:$0x3] =	sbarrier.arrive $0xFFFF  }
0x4d: {  	_ =	shalt  }

</sc_bundles>
